<compile_context>
chip_gen: v7x
topology: tpu7x:2x2x1
jax: 0.10.2.dev20260603
libtpu: 0.0.44.dev20260713+nightly
codegen_flags: <defaults>
</compile_context>

<pallas_src>
import functools

import jax
import jax.numpy as jnp
from jax import lax
from jax.experimental import pallas as pl
from jax.experimental.pallas import tpu as pltpu
from jax.experimental.pallas import tpu_sc as plsc

C_Z = 128
N_BINS = 64
MIN_D = 0.0
MAX_D = 50.0
N = 512
NTOT = N * N

BIN_W = MAX_D / N_BINS
INV_W = N_BINS / MAX_D
CLIP_HI = MAX_D - 1e-6

NC, NS = 2, 16
NW = NC * NS
ROWS_PER_TILE = NTOT // NW
CHUNK = 256
NCHUNK = ROWS_PER_TILE // CHUNK


def _table_body(we_ref, lnw_ref, lnb_ref, wp_ref, out_ref):
    we = we_ref[...]
    mu = jnp.mean(we, axis=1, keepdims=True)
    var = jnp.mean((we - mu) ** 2, axis=1, keepdims=True)
    x = (we - mu) / jnp.sqrt(var + 1e-5) * lnw_ref[...] + lnb_ref[...]
    out_ref[...] = lax.dot_general(x, wp_ref[...], (((1,), (1,)), ((), ())),
                                   preferred_element_type=jnp.float32)


_table_call = pl.pallas_call(
    _table_body, out_shape=jax.ShapeDtypeStruct((N_BINS, C_Z), jnp.float32))


def _bin16(d):
    d = jnp.minimum(jnp.maximum(d, MIN_D), CLIP_HI)
    c0 = jnp.clip((d * INV_W).astype(jnp.int32), 0, N_BINS - 1)
    e0 = c0.astype(jnp.float32) * BIN_W
    e1 = (c0 + 1).astype(jnp.float32) * BIN_W
    k = jnp.where(d <= e0, c0 - 1, jnp.where(d > e1, c0 + 1, c0))
    return jnp.clip(k, 0, N_BINS - 1)


SUB = 128
NSUB = ROWS_PER_TILE // SUB
SLOTS = 6


@functools.cache
def _make_sc_gather():
    scratch = [
        pltpu.VMEM((ROWS_PER_TILE,), jnp.float32),
        pltpu.VMEM((ROWS_PER_TILE,), jnp.int32),
        pltpu.VMEM_SHARED((N_BINS, C_Z), jnp.float32),
        pltpu.VMEM((SLOTS, SUB, C_Z), jnp.float32),
        pltpu.SemaphoreType.DMA((SLOTS,)),
        pltpu.SemaphoreType.DMA((SLOTS,)),
    ]

    @functools.partial(
        pl.kernel,
        mesh=plsc.VectorSubcoreMesh(core_axis_name="c", subcore_axis_name="s"),
        out_type=jax.ShapeDtypeStruct((NTOT, C_Z), jnp.float32),
        scratch_types=scratch,
        compiler_params=pltpu.CompilerParams(needs_layout_passes=False),
    )
    def _sc_gather(d_hbm, table_hbm, out_hbm, d_v, idx_v, table_sh,
                   stage, gsem, wsem):
        sid = lax.axis_index("s")
        wid = sid * NC + lax.axis_index("c")
        base = wid * ROWS_PER_TILE

        @pl.when(sid == 0)
        def _():
            pltpu.sync_copy(table_hbm, table_sh)

        pltpu.sync_copy(d_hbm.at[pl.ds(base, ROWS_PER_TILE)], d_v)

        def compute_idx(sub):
            @plsc.parallel_loop(0, SUB // 16, unroll=1)
            def idx_body(i):
                off = sub * SUB + i * 16
                idx_v[pl.ds(off, 16)] = _bin16(d_v[pl.ds(off, 16)])

        for b in range(SLOTS):
            compute_idx(b)

        plsc.subcore_barrier()

        def s_gather(sid_, b):
            idx_slice = idx_v.at[pl.ds(sid_ * SUB, SUB)]
            return pltpu.make_async_copy(table_sh.at[idx_slice],
                                         stage.at[b], gsem.at[b])

        def s_copy(sid_, b):
            dst = out_hbm.at[pl.ds(base + sid_ * SUB, SUB)]
            return pltpu.make_async_copy(stage.at[b], dst, wsem.at[b])

        for b in range(SLOTS):
            s_gather(b, b).start()

        LAG = 2

        def sub_body(rnd, carry):
            rr = lax.rem(rnd, SLOTS)
            s_gather(rnd, rr).wait()
            s_copy(rnd, rr).start()

            @pl.when(rnd + SLOTS < NSUB)
            def _():
                compute_idx(rnd + SLOTS)

            j = rnd - LAG
            jr = lax.rem(rnd + SLOTS - LAG, SLOTS)

            @pl.when(jnp.logical_and(j >= 0, j + SLOTS < NSUB))
            def _():
                s_copy(j, jr).wait()
                s_gather(j + SLOTS, jr).start()

            return carry

        lax.fori_loop(0, NSUB, sub_body, 0)
        for k in range(NSUB - SLOTS, NSUB):
            s_copy(k, k % SLOTS).wait()

    return _sc_gather


def kernel(distance_constraints, W_embed, ln_weight, ln_bias, W_proj):
    table = _table_call(W_embed.T, ln_weight.reshape(1, C_Z),
                        ln_bias.reshape(1, C_Z), W_proj)
    d_flat = distance_constraints.reshape(NTOT)
    out = _make_sc_gather()(d_flat, table)
    return out.reshape(1, N, N, C_Z)

# --- scband reference (transcript-rebuilt; emitter-appended) ---
"""Pipeline reference for scband-distance-constraint-encoder-45397804319134 (READ-ONLY COPY).

The authoritative reference and input builder live on the scoring server;
editing this copy changes nothing except your own understanding.
"""

import jax, jax.numpy as jnp
import numpy as np

C_Z = 128
N_BINS = 64
MIN_D = 0.0
MAX_D = 50.0
B = 1
N = 512


def setup_inputs(seed: int = 0) -> dict:
    key = jax.random.key(seed)
    k1, k2, k3 = jax.random.split(key, 3)
    distance_constraints = jax.random.uniform(k1, (B, N, N), dtype=jnp.float32, minval=0.0, maxval=MAX_D)
    # LinearNoBias(n_bins, c_z): torch weight shape [c_z, n_bins], y = x @ W.T
    W_embed = jax.random.normal(k2, (C_Z, N_BINS), dtype=jnp.float32) * 0.02
    # LayerNorm(c_z) affine params
    ln_weight = jnp.ones((C_Z,), dtype=jnp.float32)
    ln_bias = jnp.zeros((C_Z,), dtype=jnp.float32)
    # proj LinearNoBias(c_z, c_z). (torch init zeros it; use small random for a nontrivial reference)
    W_proj = jax.random.normal(k3, (C_Z, C_Z), dtype=jnp.float32) * 0.02
    return {
        "distance_constraints": distance_constraints,
        "W_embed": W_embed,
        "ln_weight": ln_weight,
        "ln_bias": ln_bias,
        "W_proj": W_proj,
    }


def _layer_norm(x, w, b, eps=1e-5):
    mu = jnp.mean(x, axis=-1, keepdims=True)
    var = jnp.var(x, axis=-1, keepdims=True)
    return (x - mu) / jnp.sqrt(var + eps) * w + b


def reference(distance_constraints, W_embed, ln_weight, ln_bias, W_proj):
    bin_edges = jnp.linspace(MIN_D, MAX_D, N_BINS + 1)
    # discretize_distances
    d = jnp.clip(distance_constraints, MIN_D, MAX_D - 1e-6)
    # torch.bucketize(d, bin_edges[:-1]) with right=False == searchsorted side='left'
    idx = jnp.searchsorted(bin_edges[:-1], d, side="left") - 1
    idx = jnp.clip(idx, 0, N_BINS - 1)
    one_hot = jax.nn.one_hot(idx, N_BINS, dtype=jnp.float32)  # [B, N, N, n_bins]
    # embed: LinearNoBias
    z = one_hot @ W_embed.T  # [B, N, N, c_z]
    # proj: LayerNorm -> LinearNoBias
    z = _layer_norm(z, ln_weight, ln_bias)
    z = z @ W_proj.T
    return z

if __name__ == "__main__":
    import jax
    _d = setup_inputs()
    print(jax.jit(kernel)(*tuple(_d.values())))

</pallas_src>

<mosaic_0001>
#map = affine_map<(d0, d1) -> (0)>
#map1 = affine_map<(d0, d1) -> (0, 0)>
module attributes {stable_mosaic.version = 14 : i64} {
  func.func @_sc_gather(%arg0: i32, %arg1: i32, %arg2: memref<262144xf32, #tpu.memory_space<hbm>>, %arg3: memref<64x128xf32, #tpu.memory_space<hbm>>, %arg4: memref<262144x128xf32, #tpu.memory_space<hbm>>, %arg5: memref<8192xf32, #tpu.memory_space<vmem>>, %arg6: memref<8192xi32, #tpu.memory_space<vmem>>, %arg7: memref<64x128xf32, #tpu.memory_space<vmem_shared>>, %arg8: memref<6x128x128xf32, #tpu.memory_space<vmem>>, %arg9: memref<6x!tpu.dma_semaphore, #tpu.memory_space<semaphore_mem>>, %arg10: memref<6x!tpu.dma_semaphore, #tpu.memory_space<semaphore_mem>>) attributes {dimension_semantics = [#tpu.dimension_semantics<core_parallel>, #tpu.dimension_semantics<subcore_parallel>], iteration_bounds = array<i64: 2, 16>, scalar_prefetch = 0 : i64, scratch_operands = 6 : i64, tpu.core_type = #tpu.core_type<sc_vector_subcore>, window_params = [{transform_indices = #map}, {transform_indices = #map1}, {transform_indices = #map1}]} {
    %mul3A = arith.constant 2 : i32
    %mul3A_0 = arith.muli %arg1, %mul3A : i32
    %add3A = arith.addi %mul3A_0, %arg0 : i32
    %mul3A_1 = arith.constant 8192 : i32
    %mul3A_2 = arith.muli %add3A, %mul3A_1 : i32
    %eq3A = arith.constant 0 : i32
    %eq3A_3 = arith.cmpi eq, %arg1, %eq3A : i32
    %convert_element_type3A = arith.extui %eq3A_3 : i1 to i32
    %cond3A = arith.constant 0 : i32
    %cond3A_4 = arith.cmpi ne, %convert_element_type3A, %cond3A : i32
    scf.if %cond3A_4 {
      "tpu.region"() ({
        %run_scoped3A = tpu.sem_alloc : memref<!tpu.dma_semaphore, #tpu.memory_space<semaphore_mem>>
        tpu.enqueue_dma source(%arg3 : memref<64x128xf32, #tpu.memory_space<hbm>>) target(%arg7 : memref<64x128xf32, #tpu.memory_space<vmem_shared>>) target_semaphore(%run_scoped3A : memref<!tpu.dma_semaphore, #tpu.memory_space<semaphore_mem>>)
        tpu.wait_dma2 semaphore(%run_scoped3A : memref<!tpu.dma_semaphore, #tpu.memory_space<semaphore_mem>>) src(%arg3 : memref<64x128xf32, #tpu.memory_space<hbm>>) dst(%arg7 : memref<64x128xf32, #tpu.memory_space<vmem_shared>>)
        tpu.yield
      }) : () -> ()
    } else {
    }
    "tpu.region"() ({
      %run_scoped3A = tpu.sem_alloc : memref<!tpu.dma_semaphore, #tpu.memory_space<semaphore_mem>>
      %dma_start3A_211 = tpu.memref_slice %arg2[%mul3A_2] : memref<262144xf32, #tpu.memory_space<hbm>> -> memref<8192xf32, #tpu.memory_space<hbm>>
      %dma_start3A_212 = tpu.memref_slice %arg2[%mul3A_2] : memref<262144xf32, #tpu.memory_space<hbm>> -> memref<8192xf32, #tpu.memory_space<hbm>>
      tpu.enqueue_dma source(%dma_start3A_212 : memref<8192xf32, #tpu.memory_space<hbm>>) target(%arg5 : memref<8192xf32, #tpu.memory_space<vmem>>) target_semaphore(%run_scoped3A : memref<!tpu.dma_semaphore, #tpu.memory_space<semaphore_mem>>)
      %dma_wait3A_213 = tpu.memref_slice %arg2[%mul3A_2] : memref<262144xf32, #tpu.memory_space<hbm>> -> memref<8192xf32, #tpu.memory_space<hbm>>
      %dma_wait3A_214 = tpu.memref_slice %arg2[%mul3A_2] : memref<262144xf32, #tpu.memory_space<hbm>> -> memref<8192xf32, #tpu.memory_space<hbm>>
      tpu.wait_dma2 semaphore(%run_scoped3A : memref<!tpu.dma_semaphore, #tpu.memory_space<semaphore_mem>>) src(%dma_wait3A_214 : memref<8192xf32, #tpu.memory_space<hbm>>) dst(%arg5 : memref<8192xf32, #tpu.memory_space<vmem>>)
      tpu.yield
    }) : () -> ()
    %parallel_loop3A = arith.constant 0 : i32
    %parallel_loop3A_5 = arith.constant 8 : i32
    %parallel_loop3A_6 = arith.constant 1 : i32
    scf.for %parallel_loop3A_211 = %parallel_loop3A to %parallel_loop3A_5 step %parallel_loop3A_6  : i32 {
      %parallel_loop3A_212 = arith.constant 16 : i32
      %parallel_loop3A_213 = arith.muli %parallel_loop3A_211, %parallel_loop3A_212 : i32
      %parallel_loop3A_214 = arith.constant 0 : i32
      %parallel_loop3A_215 = arith.addi %parallel_loop3A_214, %parallel_loop3A_213 : i32
      %parallel_loop3A_216 = arith.index_cast %parallel_loop3A_215 : i32 to index
      %parallel_loop3A_217 = tpu.vector_load %arg5[%parallel_loop3A_216] {strides = array<i32>} : memref<8192xf32, #tpu.memory_space<vmem>>, vector<16xf32>,
      %parallel_loop3A_218 = arith.constant 0.000000e+00 : f32
      %parallel_loop3A_219 = vector.broadcast %parallel_loop3A_218 : f32 to vector<16xf32>
      %parallel_loop3A_220 = arith.maximumf %parallel_loop3A_217, %parallel_loop3A_219 : vector<16xf32>
      %parallel_loop3A_221 = arith.constant 5.000000e+01 : f32
      %parallel_loop3A_222 = vector.broadcast %parallel_loop3A_221 : f32 to vector<16xf32>
      %parallel_loop3A_223 = arith.minimumf %parallel_loop3A_220, %parallel_loop3A_222 : vector<16xf32>
      %parallel_loop3A_224 = arith.constant 1.280000e+00 : f32
      %parallel_loop3A_225 = vector.broadcast %parallel_loop3A_224 : f32 to vector<16xf32>
      %parallel_loop3A_226 = arith.mulf %parallel_loop3A_223, %parallel_loop3A_225 : vector<16xf32>
      %parallel_loop3A_227 = arith.fptosi %parallel_loop3A_226 : vector<16xf32> to vector<16xi32>
      %parallel_loop3A_228 = arith.constant 0 : i32
      %parallel_loop3A_229 = arith.constant 63 : i32
      %parallel_loop3A_230 = vector.broadcast %parallel_loop3A_228 : i32 to vector<16xi32>
      %parallel_loop3A_231 = arith.maxsi %parallel_loop3A_230, %parallel_loop3A_227 : vector<16xi32>
      %parallel_loop3A_232 = vector.broadcast %parallel_loop3A_229 : i32 to vector<16xi32>
      %parallel_loop3A_233 = arith.minsi %parallel_loop3A_232, %parallel_loop3A_231 : vector<16xi32>
      %parallel_loop3A_234 = arith.sitofp %parallel_loop3A_233 : vector<16xi32> to vector<16xf32>
      %parallel_loop3A_235 = arith.constant 7.812500e-01 : f32
      %parallel_loop3A_236 = vector.broadcast %parallel_loop3A_235 : f32 to vector<16xf32>
      %parallel_loop3A_237 = arith.mulf %parallel_loop3A_234, %parallel_loop3A_236 : vector<16xf32>
      %parallel_loop3A_238 = arith.constant 1 : i32
      %parallel_loop3A_239 = vector.broadcast %parallel_loop3A_238 : i32 to vector<16xi32>
      %parallel_loop3A_240 = arith.addi %parallel_loop3A_233, %parallel_loop3A_239 : vector<16xi32>
      %parallel_loop3A_241 = arith.sitofp %parallel_loop3A_240 : vector<16xi32> to vector<16xf32>
      %parallel_loop3A_242 = arith.constant 7.812500e-01 : f32
      %parallel_loop3A_243 = vector.broadcast %parallel_loop3A_242 : f32 to vector<16xf32>
      %parallel_loop3A_244 = arith.mulf %parallel_loop3A_241, %parallel_loop3A_243 : vector<16xf32>
      %parallel_loop3A_245 = arith.cmpf ole, %parallel_loop3A_223, %parallel_loop3A_237 : vector<16xf32>
      %parallel_loop3A_246 = arith.constant 1 : i32
      %parallel_loop3A_247 = vector.broadcast %parallel_loop3A_246 : i32 to vector<16xi32>
      %parallel_loop3A_248 = arith.subi %parallel_loop3A_233, %parallel_loop3A_247 : vector<16xi32>
      %parallel_loop3A_249 = arith.cmpf ogt, %parallel_loop3A_223, %parallel_loop3A_244 : vector<16xf32>
      %parallel_loop3A_250 = arith.constant 1 : i32
      %parallel_loop3A_251 = vector.broadcast %parallel_loop3A_250 : i32 to vector<16xi32>
      %parallel_loop3A_252 = arith.addi %parallel_loop3A_233, %parallel_loop3A_251 : vector<16xi32>
      %parallel_loop3A_253 = arith.select %parallel_loop3A_249, %parallel_loop3A_252, %parallel_loop3A_233 : vector<16xi1>, vector<16xi32>
      %parallel_loop3A_254 = arith.select %parallel_loop3A_245, %parallel_loop3A_248, %parallel_loop3A_253 : vector<16xi1>, vector<16xi32>
      %parallel_loop3A_255 = arith.constant 0 : i32
      %parallel_loop3A_256 = arith.constant 63 : i32
      %parallel_loop3A_257 = vector.broadcast %parallel_loop3A_255 : i32 to vector<16xi32>
      %parallel_loop3A_258 = arith.maxsi %parallel_loop3A_257, %parallel_loop3A_254 : vector<16xi32>
      %parallel_loop3A_259 = vector.broadcast %parallel_loop3A_256 : i32 to vector<16xi32>
      %parallel_loop3A_260 = arith.minsi %parallel_loop3A_259, %parallel_loop3A_258 : vector<16xi32>
      %parallel_loop3A_261 = arith.index_cast %parallel_loop3A_215 : i32 to index
      %parallel_loop3A_262 = tpu.vector_load %arg6[%parallel_loop3A_261] {strides = array<i32>} : memref<8192xi32, #tpu.memory_space<vmem>>, vector<16xi32>,
      tpu.vector_store %arg6[%parallel_loop3A_261], %parallel_loop3A_260 {strides = array<i32>} : memref<8192xi32, #tpu.memory_space<vmem>>, vector<16xi32>,
    } {sc.loop_unroll_factor = 1 : i64, sc.parallel_access}
    %parallel_loop3A_7 = arith.constant 0 : i32
    %parallel_loop3A_8 = arith.constant 8 : i32
    %parallel_loop3A_9 = arith.constant 1 : i32
    scf.for %parallel_loop3A_211 = %parallel_loop3A_7 to %parallel_loop3A_8 step %parallel_loop3A_9  : i32 {
      %parallel_loop3A_212 = arith.constant 16 : i32
      %parallel_loop3A_213 = arith.muli %parallel_loop3A_211, %parallel_loop3A_212 : i32
      %parallel_loop3A_214 = arith.constant 128 : i32
      %parallel_loop3A_215 = arith.addi %parallel_loop3A_214, %parallel_loop3A_213 : i32
      %parallel_loop3A_216 = arith.index_cast %parallel_loop3A_215 : i32 to index
      %parallel_loop3A_217 = tpu.vector_load %arg5[%parallel_loop3A_216] {strides = array<i32>} : memref<8192xf32, #tpu.memory_space<vmem>>, vector<16xf32>,
      %parallel_loop3A_218 = arith.constant 0.000000e+00 : f32
      %parallel_loop3A_219 = vector.broadcast %parallel_loop3A_218 : f32 to vector<16xf32>
      %parallel_loop3A_220 = arith.maximumf %parallel_loop3A_217, %parallel_loop3A_219 : vector<16xf32>
      %parallel_loop3A_221 = arith.constant 5.000000e+01 : f32
      %parallel_loop3A_222 = vector.broadcast %parallel_loop3A_221 : f32 to vector<16xf32>
      %parallel_loop3A_223 = arith.minimumf %parallel_loop3A_220, %parallel_loop3A_222 : vector<16xf32>
      %parallel_loop3A_224 = arith.constant 1.280000e+00 : f32
      %parallel_loop3A_225 = vector.broadcast %parallel_loop3A_224 : f32 to vector<16xf32>
      %parallel_loop3A_226 = arith.mulf %parallel_loop3A_223, %parallel_loop3A_225 : vector<16xf32>
      %parallel_loop3A_227 = arith.fptosi %parallel_loop3A_226 : vector<16xf32> to vector<16xi32>
      %parallel_loop3A_228 = arith.constant 0 : i32
      %parallel_loop3A_229 = arith.constant 63 : i32
      %parallel_loop3A_230 = vector.broadcast %parallel_loop3A_228 : i32 to vector<16xi32>
      %parallel_loop3A_231 = arith.maxsi %parallel_loop3A_230, %parallel_loop3A_227 : vector<16xi32>
      %parallel_loop3A_232 = vector.broadcast %parallel_loop3A_229 : i32 to vector<16xi32>
      %parallel_loop3A_233 = arith.minsi %parallel_loop3A_232, %parallel_loop3A_231 : vector<16xi32>
      %parallel_loop3A_234 = arith.sitofp %parallel_loop3A_233 : vector<16xi32> to vector<16xf32>
      %parallel_loop3A_235 = arith.constant 7.812500e-01 : f32
      %parallel_loop3A_236 = vector.broadcast %parallel_loop3A_235 : f32 to vector<16xf32>
      %parallel_loop3A_237 = arith.mulf %parallel_loop3A_234, %parallel_loop3A_236 : vector<16xf32>
      %parallel_loop3A_238 = arith.constant 1 : i32
      %parallel_loop3A_239 = vector.broadcast %parallel_loop3A_238 : i32 to vector<16xi32>
      %parallel_loop3A_240 = arith.addi %parallel_loop3A_233, %parallel_loop3A_239 : vector<16xi32>
      %parallel_loop3A_241 = arith.sitofp %parallel_loop3A_240 : vector<16xi32> to vector<16xf32>
      %parallel_loop3A_242 = arith.constant 7.812500e-01 : f32
      %parallel_loop3A_243 = vector.broadcast %parallel_loop3A_242 : f32 to vector<16xf32>
      %parallel_loop3A_244 = arith.mulf %parallel_loop3A_241, %parallel_loop3A_243 : vector<16xf32>
      %parallel_loop3A_245 = arith.cmpf ole, %parallel_loop3A_223, %parallel_loop3A_237 : vector<16xf32>
      %parallel_loop3A_246 = arith.constant 1 : i32
      %parallel_loop3A_247 = vector.broadcast %parallel_loop3A_246 : i32 to vector<16xi32>
      %parallel_loop3A_248 = arith.subi %parallel_loop3A_233, %parallel_loop3A_247 : vector<16xi32>
      %parallel_loop3A_249 = arith.cmpf ogt, %parallel_loop3A_223, %parallel_loop3A_244 : vector<16xf32>
      %parallel_loop3A_250 = arith.constant 1 : i32
      %parallel_loop3A_251 = vector.broadcast %parallel_loop3A_250 : i32 to vector<16xi32>
      %parallel_loop3A_252 = arith.addi %parallel_loop3A_233, %parallel_loop3A_251 : vector<16xi32>
      %parallel_loop3A_253 = arith.select %parallel_loop3A_249, %parallel_loop3A_252, %parallel_loop3A_233 : vector<16xi1>, vector<16xi32>
      %parallel_loop3A_254 = arith.select %parallel_loop3A_245, %parallel_loop3A_248, %parallel_loop3A_253 : vector<16xi1>, vector<16xi32>
      %parallel_loop3A_255 = arith.constant 0 : i32
      %parallel_loop3A_256 = arith.constant 63 : i32
      %parallel_loop3A_257 = vector.broadcast %parallel_loop3A_255 : i32 to vector<16xi32>
      %parallel_loop3A_258 = arith.maxsi %parallel_loop3A_257, %parallel_loop3A_254 : vector<16xi32>
      %parallel_loop3A_259 = vector.broadcast %parallel_loop3A_256 : i32 to vector<16xi32>
      %parallel_loop3A_260 = arith.minsi %parallel_loop3A_259, %parallel_loop3A_258 : vector<16xi32>
      %parallel_loop3A_261 = arith.index_cast %parallel_loop3A_215 : i32 to index
      %parallel_loop3A_262 = tpu.vector_load %arg6[%parallel_loop3A_261] {strides = array<i32>} : memref<8192xi32, #tpu.memory_space<vmem>>, vector<16xi32>,
      tpu.vector_store %arg6[%parallel_loop3A_261], %parallel_loop3A_260 {strides = array<i32>} : memref<8192xi32, #tpu.memory_space<vmem>>, vector<16xi32>,
    } {sc.loop_unroll_factor = 1 : i64, sc.parallel_access}
    %parallel_loop3A_10 = arith.constant 0 : i32
    %parallel_loop3A_11 = arith.constant 8 : i32
    %parallel_loop3A_12 = arith.constant 1 : i32
    scf.for %parallel_loop3A_211 = %parallel_loop3A_10 to %parallel_loop3A_11 step %parallel_loop3A_12  : i32 {
      %parallel_loop3A_212 = arith.constant 16 : i32
      %parallel_loop3A_213 = arith.muli %parallel_loop3A_211, %parallel_loop3A_212 : i32
      %parallel_loop3A_214 = arith.constant 256 : i32
      %parallel_loop3A_215 = arith.addi %parallel_loop3A_214, %parallel_loop3A_213 : i32
      %parallel_loop3A_216 = arith.index_cast %parallel_loop3A_215 : i32 to index
      %parallel_loop3A_217 = tpu.vector_load %arg5[%parallel_loop3A_216] {strides = array<i32>} : memref<8192xf32, #tpu.memory_space<vmem>>, vector<16xf32>,
      %parallel_loop3A_218 = arith.constant 0.000000e+00 : f32
      %parallel_loop3A_219 = vector.broadcast %parallel_loop3A_218 : f32 to vector<16xf32>
      %parallel_loop3A_220 = arith.maximumf %parallel_loop3A_217, %parallel_loop3A_219 : vector<16xf32>
      %parallel_loop3A_221 = arith.constant 5.000000e+01 : f32
      %parallel_loop3A_222 = vector.broadcast %parallel_loop3A_221 : f32 to vector<16xf32>
      %parallel_loop3A_223 = arith.minimumf %parallel_loop3A_220, %parallel_loop3A_222 : vector<16xf32>
      %parallel_loop3A_224 = arith.constant 1.280000e+00 : f32
      %parallel_loop3A_225 = vector.broadcast %parallel_loop3A_224 : f32 to vector<16xf32>
      %parallel_loop3A_226 = arith.mulf %parallel_loop3A_223, %parallel_loop3A_225 : vector<16xf32>
      %parallel_loop3A_227 = arith.fptosi %parallel_loop3A_226 : vector<16xf32> to vector<16xi32>
      %parallel_loop3A_228 = arith.constant 0 : i32
      %parallel_loop3A_229 = arith.constant 63 : i32
      %parallel_loop3A_230 = vector.broadcast %parallel_loop3A_228 : i32 to vector<16xi32>
      %parallel_loop3A_231 = arith.maxsi %parallel_loop3A_230, %parallel_loop3A_227 : vector<16xi32>
      %parallel_loop3A_232 = vector.broadcast %parallel_loop3A_229 : i32 to vector<16xi32>
      %parallel_loop3A_233 = arith.minsi %parallel_loop3A_232, %parallel_loop3A_231 : vector<16xi32>
      %parallel_loop3A_234 = arith.sitofp %parallel_loop3A_233 : vector<16xi32> to vector<16xf32>
      %parallel_loop3A_235 = arith.constant 7.812500e-01 : f32
      %parallel_loop3A_236 = vector.broadcast %parallel_loop3A_235 : f32 to vector<16xf32>
      %parallel_loop3A_237 = arith.mulf %parallel_loop3A_234, %parallel_loop3A_236 : vector<16xf32>
      %parallel_loop3A_238 = arith.constant 1 : i32
      %parallel_loop3A_239 = vector.broadcast %parallel_loop3A_238 : i32 to vector<16xi32>
      %parallel_loop3A_240 = arith.addi %parallel_loop3A_233, %parallel_loop3A_239 : vector<16xi32>
      %parallel_loop3A_241 = arith.sitofp %parallel_loop3A_240 : vector<16xi32> to vector<16xf32>
      %parallel_loop3A_242 = arith.constant 7.812500e-01 : f32
      %parallel_loop3A_243 = vector.broadcast %parallel_loop3A_242 : f32 to vector<16xf32>
      %parallel_loop3A_244 = arith.mulf %parallel_loop3A_241, %parallel_loop3A_243 : vector<16xf32>
      %parallel_loop3A_245 = arith.cmpf ole, %parallel_loop3A_223, %parallel_loop3A_237 : vector<16xf32>
      %parallel_loop3A_246 = arith.constant 1 : i32
      %parallel_loop3A_247 = vector.broadcast %parallel_loop3A_246 : i32 to vector<16xi32>
      %parallel_loop3A_248 = arith.subi %parallel_loop3A_233, %parallel_loop3A_247 : vector<16xi32>
      %parallel_loop3A_249 = arith.cmpf ogt, %parallel_loop3A_223, %parallel_loop3A_244 : vector<16xf32>
      %parallel_loop3A_250 = arith.constant 1 : i32
      %parallel_loop3A_251 = vector.broadcast %parallel_loop3A_250 : i32 to vector<16xi32>
      %parallel_loop3A_252 = arith.addi %parallel_loop3A_233, %parallel_loop3A_251 : vector<16xi32>
      %parallel_loop3A_253 = arith.select %parallel_loop3A_249, %parallel_loop3A_252, %parallel_loop3A_233 : vector<16xi1>, vector<16xi32>
      %parallel_loop3A_254 = arith.select %parallel_loop3A_245, %parallel_loop3A_248, %parallel_loop3A_253 : vector<16xi1>, vector<16xi32>
      %parallel_loop3A_255 = arith.constant 0 : i32
      %parallel_loop3A_256 = arith.constant 63 : i32
      %parallel_loop3A_257 = vector.broadcast %parallel_loop3A_255 : i32 to vector<16xi32>
      %parallel_loop3A_258 = arith.maxsi %parallel_loop3A_257, %parallel_loop3A_254 : vector<16xi32>
      %parallel_loop3A_259 = vector.broadcast %parallel_loop3A_256 : i32 to vector<16xi32>
      %parallel_loop3A_260 = arith.minsi %parallel_loop3A_259, %parallel_loop3A_258 : vector<16xi32>
      %parallel_loop3A_261 = arith.index_cast %parallel_loop3A_215 : i32 to index
      %parallel_loop3A_262 = tpu.vector_load %arg6[%parallel_loop3A_261] {strides = array<i32>} : memref<8192xi32, #tpu.memory_space<vmem>>, vector<16xi32>,
      tpu.vector_store %arg6[%parallel_loop3A_261], %parallel_loop3A_260 {strides = array<i32>} : memref<8192xi32, #tpu.memory_space<vmem>>, vector<16xi32>,
    } {sc.loop_unroll_factor = 1 : i64, sc.parallel_access}
    %parallel_loop3A_13 = arith.constant 0 : i32
    %parallel_loop3A_14 = arith.constant 8 : i32
    %parallel_loop3A_15 = arith.constant 1 : i32
    scf.for %parallel_loop3A_211 = %parallel_loop3A_13 to %parallel_loop3A_14 step %parallel_loop3A_15  : i32 {
      %parallel_loop3A_212 = arith.constant 16 : i32
      %parallel_loop3A_213 = arith.muli %parallel_loop3A_211, %parallel_loop3A_212 : i32
      %parallel_loop3A_214 = arith.constant 384 : i32
      %parallel_loop3A_215 = arith.addi %parallel_loop3A_214, %parallel_loop3A_213 : i32
      %parallel_loop3A_216 = arith.index_cast %parallel_loop3A_215 : i32 to index
      %parallel_loop3A_217 = tpu.vector_load %arg5[%parallel_loop3A_216] {strides = array<i32>} : memref<8192xf32, #tpu.memory_space<vmem>>, vector<16xf32>,
      %parallel_loop3A_218 = arith.constant 0.000000e+00 : f32
      %parallel_loop3A_219 = vector.broadcast %parallel_loop3A_218 : f32 to vector<16xf32>
      %parallel_loop3A_220 = arith.maximumf %parallel_loop3A_217, %parallel_loop3A_219 : vector<16xf32>
      %parallel_loop3A_221 = arith.constant 5.000000e+01 : f32
      %parallel_loop3A_222 = vector.broadcast %parallel_loop3A_221 : f32 to vector<16xf32>
      %parallel_loop3A_223 = arith.minimumf %parallel_loop3A_220, %parallel_loop3A_222 : vector<16xf32>
      %parallel_loop3A_224 = arith.constant 1.280000e+00 : f32
      %parallel_loop3A_225 = vector.broadcast %parallel_loop3A_224 : f32 to vector<16xf32>
      %parallel_loop3A_226 = arith.mulf %parallel_loop3A_223, %parallel_loop3A_225 : vector<16xf32>
      %parallel_loop3A_227 = arith.fptosi %parallel_loop3A_226 : vector<16xf32> to vector<16xi32>
      %parallel_loop3A_228 = arith.constant 0 : i32
      %parallel_loop3A_229 = arith.constant 63 : i32
      %parallel_loop3A_230 = vector.broadcast %parallel_loop3A_228 : i32 to vector<16xi32>
      %parallel_loop3A_231 = arith.maxsi %parallel_loop3A_230, %parallel_loop3A_227 : vector<16xi32>
      %parallel_loop3A_232 = vector.broadcast %parallel_loop3A_229 : i32 to vector<16xi32>
      %parallel_loop3A_233 = arith.minsi %parallel_loop3A_232, %parallel_loop3A_231 : vector<16xi32>
      %parallel_loop3A_234 = arith.sitofp %parallel_loop3A_233 : vector<16xi32> to vector<16xf32>
      %parallel_loop3A_235 = arith.constant 7.812500e-01 : f32
      %parallel_loop3A_236 = vector.broadcast %parallel_loop3A_235 : f32 to vector<16xf32>
      %parallel_loop3A_237 = arith.mulf %parallel_loop3A_234, %parallel_loop3A_236 : vector<16xf32>
      %parallel_loop3A_238 = arith.constant 1 : i32
      %parallel_loop3A_239 = vector.broadcast %parallel_loop3A_238 : i32 to vector<16xi32>
      %parallel_loop3A_240 = arith.addi %parallel_loop3A_233, %parallel_loop3A_239 : vector<16xi32>
      %parallel_loop3A_241 = arith.sitofp %parallel_loop3A_240 : vector<16xi32> to vector<16xf32>
      %parallel_loop3A_242 = arith.constant 7.812500e-01 : f32
      %parallel_loop3A_243 = vector.broadcast %parallel_loop3A_242 : f32 to vector<16xf32>
      %parallel_loop3A_244 = arith.mulf %parallel_loop3A_241, %parallel_loop3A_243 : vector<16xf32>
      %parallel_loop3A_245 = arith.cmpf ole, %parallel_loop3A_223, %parallel_loop3A_237 : vector<16xf32>
      %parallel_loop3A_246 = arith.constant 1 : i32
      %parallel_loop3A_247 = vector.broadcast %parallel_loop3A_246 : i32 to vector<16xi32>
      %parallel_loop3A_248 = arith.subi %parallel_loop3A_233, %parallel_loop3A_247 : vector<16xi32>
      %parallel_loop3A_249 = arith.cmpf ogt, %parallel_loop3A_223, %parallel_loop3A_244 : vector<16xf32>
      %parallel_loop3A_250 = arith.constant 1 : i32
      %parallel_loop3A_251 = vector.broadcast %parallel_loop3A_250 : i32 to vector<16xi32>
      %parallel_loop3A_252 = arith.addi %parallel_loop3A_233, %parallel_loop3A_251 : vector<16xi32>
      %parallel_loop3A_253 = arith.select %parallel_loop3A_249, %parallel_loop3A_252, %parallel_loop3A_233 : vector<16xi1>, vector<16xi32>
      %parallel_loop3A_254 = arith.select %parallel_loop3A_245, %parallel_loop3A_248, %parallel_loop3A_253 : vector<16xi1>, vector<16xi32>
      %parallel_loop3A_255 = arith.constant 0 : i32
      %parallel_loop3A_256 = arith.constant 63 : i32
      %parallel_loop3A_257 = vector.broadcast %parallel_loop3A_255 : i32 to vector<16xi32>
      %parallel_loop3A_258 = arith.maxsi %parallel_loop3A_257, %parallel_loop3A_254 : vector<16xi32>
      %parallel_loop3A_259 = vector.broadcast %parallel_loop3A_256 : i32 to vector<16xi32>
      %parallel_loop3A_260 = arith.minsi %parallel_loop3A_259, %parallel_loop3A_258 : vector<16xi32>
      %parallel_loop3A_261 = arith.index_cast %parallel_loop3A_215 : i32 to index
      %parallel_loop3A_262 = tpu.vector_load %arg6[%parallel_loop3A_261] {strides = array<i32>} : memref<8192xi32, #tpu.memory_space<vmem>>, vector<16xi32>,
      tpu.vector_store %arg6[%parallel_loop3A_261], %parallel_loop3A_260 {strides = array<i32>} : memref<8192xi32, #tpu.memory_space<vmem>>, vector<16xi32>,
    } {sc.loop_unroll_factor = 1 : i64, sc.parallel_access}
    %parallel_loop3A_16 = arith.constant 0 : i32
    %parallel_loop3A_17 = arith.constant 8 : i32
    %parallel_loop3A_18 = arith.constant 1 : i32
    scf.for %parallel_loop3A_211 = %parallel_loop3A_16 to %parallel_loop3A_17 step %parallel_loop3A_18  : i32 {
      %parallel_loop3A_212 = arith.constant 16 : i32
      %parallel_loop3A_213 = arith.muli %parallel_loop3A_211, %parallel_loop3A_212 : i32
      %parallel_loop3A_214 = arith.constant 512 : i32
      %parallel_loop3A_215 = arith.addi %parallel_loop3A_214, %parallel_loop3A_213 : i32
      %parallel_loop3A_216 = arith.index_cast %parallel_loop3A_215 : i32 to index
      %parallel_loop3A_217 = tpu.vector_load %arg5[%parallel_loop3A_216] {strides = array<i32>} : memref<8192xf32, #tpu.memory_space<vmem>>, vector<16xf32>,
      %parallel_loop3A_218 = arith.constant 0.000000e+00 : f32
      %parallel_loop3A_219 = vector.broadcast %parallel_loop3A_218 : f32 to vector<16xf32>
      %parallel_loop3A_220 = arith.maximumf %parallel_loop3A_217, %parallel_loop3A_219 : vector<16xf32>
      %parallel_loop3A_221 = arith.constant 5.000000e+01 : f32
      %parallel_loop3A_222 = vector.broadcast %parallel_loop3A_221 : f32 to vector<16xf32>
      %parallel_loop3A_223 = arith.minimumf %parallel_loop3A_220, %parallel_loop3A_222 : vector<16xf32>
      %parallel_loop3A_224 = arith.constant 1.280000e+00 : f32
      %parallel_loop3A_225 = vector.broadcast %parallel_loop3A_224 : f32 to vector<16xf32>
      %parallel_loop3A_226 = arith.mulf %parallel_loop3A_223, %parallel_loop3A_225 : vector<16xf32>
      %parallel_loop3A_227 = arith.fptosi %parallel_loop3A_226 : vector<16xf32> to vector<16xi32>
      %parallel_loop3A_228 = arith.constant 0 : i32
      %parallel_loop3A_229 = arith.constant 63 : i32
      %parallel_loop3A_230 = vector.broadcast %parallel_loop3A_228 : i32 to vector<16xi32>
      %parallel_loop3A_231 = arith.maxsi %parallel_loop3A_230, %parallel_loop3A_227 : vector<16xi32>
      %parallel_loop3A_232 = vector.broadcast %parallel_loop3A_229 : i32 to vector<16xi32>
      %parallel_loop3A_233 = arith.minsi %parallel_loop3A_232, %parallel_loop3A_231 : vector<16xi32>
      %parallel_loop3A_234 = arith.sitofp %parallel_loop3A_233 : vector<16xi32> to vector<16xf32>
      %parallel_loop3A_235 = arith.constant 7.812500e-01 : f32
      %parallel_loop3A_236 = vector.broadcast %parallel_loop3A_235 : f32 to vector<16xf32>
      %parallel_loop3A_237 = arith.mulf %parallel_loop3A_234, %parallel_loop3A_236 : vector<16xf32>
      %parallel_loop3A_238 = arith.constant 1 : i32
      %parallel_loop3A_239 = vector.broadcast %parallel_loop3A_238 : i32 to vector<16xi32>
      %parallel_loop3A_240 = arith.addi %parallel_loop3A_233, %parallel_loop3A_239 : vector<16xi32>
      %parallel_loop3A_241 = arith.sitofp %parallel_loop3A_240 : vector<16xi32> to vector<16xf32>
      %parallel_loop3A_242 = arith.constant 7.812500e-01 : f32
      %parallel_loop3A_243 = vector.broadcast %parallel_loop3A_242 : f32 to vector<16xf32>
      %parallel_loop3A_244 = arith.mulf %parallel_loop3A_241, %parallel_loop3A_243 : vector<16xf32>
      %parallel_loop3A_245 = arith.cmpf ole, %parallel_loop3A_223, %parallel_loop3A_237 : vector<16xf32>
      %parallel_loop3A_246 = arith.constant 1 : i32
      %parallel_loop3A_247 = vector.broadcast %parallel_loop3A_246 : i32 to vector<16xi32>
      %parallel_loop3A_248 = arith.subi %parallel_loop3A_233, %parallel_loop3A_247 : vector<16xi32>
      %parallel_loop3A_249 = arith.cmpf ogt, %parallel_loop3A_223, %parallel_loop3A_244 : vector<16xf32>
      %parallel_loop3A_250 = arith.constant 1 : i32
      %parallel_loop3A_251 = vector.broadcast %parallel_loop3A_250 : i32 to vector<16xi32>
      %parallel_loop3A_252 = arith.addi %parallel_loop3A_233, %parallel_loop3A_251 : vector<16xi32>
      %parallel_loop3A_253 = arith.select %parallel_loop3A_249, %parallel_loop3A_252, %parallel_loop3A_233 : vector<16xi1>, vector<16xi32>
      %parallel_loop3A_254 = arith.select %parallel_loop3A_245, %parallel_loop3A_248, %parallel_loop3A_253 : vector<16xi1>, vector<16xi32>
      %parallel_loop3A_255 = arith.constant 0 : i32
      %parallel_loop3A_256 = arith.constant 63 : i32
      %parallel_loop3A_257 = vector.broadcast %parallel_loop3A_255 : i32 to vector<16xi32>
      %parallel_loop3A_258 = arith.maxsi %parallel_loop3A_257, %parallel_loop3A_254 : vector<16xi32>
      %parallel_loop3A_259 = vector.broadcast %parallel_loop3A_256 : i32 to vector<16xi32>
      %parallel_loop3A_260 = arith.minsi %parallel_loop3A_259, %parallel_loop3A_258 : vector<16xi32>
      %parallel_loop3A_261 = arith.index_cast %parallel_loop3A_215 : i32 to index
      %parallel_loop3A_262 = tpu.vector_load %arg6[%parallel_loop3A_261] {strides = array<i32>} : memref<8192xi32, #tpu.memory_space<vmem>>, vector<16xi32>,
      tpu.vector_store %arg6[%parallel_loop3A_261], %parallel_loop3A_260 {strides = array<i32>} : memref<8192xi32, #tpu.memory_space<vmem>>, vector<16xi32>,
    } {sc.loop_unroll_factor = 1 : i64, sc.parallel_access}
    %parallel_loop3A_19 = arith.constant 0 : i32
    %parallel_loop3A_20 = arith.constant 8 : i32
    %parallel_loop3A_21 = arith.constant 1 : i32
    scf.for %parallel_loop3A_211 = %parallel_loop3A_19 to %parallel_loop3A_20 step %parallel_loop3A_21  : i32 {
      %parallel_loop3A_212 = arith.constant 16 : i32
      %parallel_loop3A_213 = arith.muli %parallel_loop3A_211, %parallel_loop3A_212 : i32
      %parallel_loop3A_214 = arith.constant 640 : i32
      %parallel_loop3A_215 = arith.addi %parallel_loop3A_214, %parallel_loop3A_213 : i32
      %parallel_loop3A_216 = arith.index_cast %parallel_loop3A_215 : i32 to index
      %parallel_loop3A_217 = tpu.vector_load %arg5[%parallel_loop3A_216] {strides = array<i32>} : memref<8192xf32, #tpu.memory_space<vmem>>, vector<16xf32>,
      %parallel_loop3A_218 = arith.constant 0.000000e+00 : f32
      %parallel_loop3A_219 = vector.broadcast %parallel_loop3A_218 : f32 to vector<16xf32>
      %parallel_loop3A_220 = arith.maximumf %parallel_loop3A_217, %parallel_loop3A_219 : vector<16xf32>
      %parallel_loop3A_221 = arith.constant 5.000000e+01 : f32
      %parallel_loop3A_222 = vector.broadcast %parallel_loop3A_221 : f32 to vector<16xf32>
      %parallel_loop3A_223 = arith.minimumf %parallel_loop3A_220, %parallel_loop3A_222 : vector<16xf32>
      %parallel_loop3A_224 = arith.constant 1.280000e+00 : f32
      %parallel_loop3A_225 = vector.broadcast %parallel_loop3A_224 : f32 to vector<16xf32>
      %parallel_loop3A_226 = arith.mulf %parallel_loop3A_223, %parallel_loop3A_225 : vector<16xf32>
      %parallel_loop3A_227 = arith.fptosi %parallel_loop3A_226 : vector<16xf32> to vector<16xi32>
      %parallel_loop3A_228 = arith.constant 0 : i32
      %parallel_loop3A_229 = arith.constant 63 : i32
      %parallel_loop3A_230 = vector.broadcast %parallel_loop3A_228 : i32 to vector<16xi32>
      %parallel_loop3A_231 = arith.maxsi %parallel_loop3A_230, %parallel_loop3A_227 : vector<16xi32>
      %parallel_loop3A_232 = vector.broadcast %parallel_loop3A_229 : i32 to vector<16xi32>
      %parallel_loop3A_233 = arith.minsi %parallel_loop3A_232, %parallel_loop3A_231 : vector<16xi32>
      %parallel_loop3A_234 = arith.sitofp %parallel_loop3A_233 : vector<16xi32> to vector<16xf32>
      %parallel_loop3A_235 = arith.constant 7.812500e-01 : f32
      %parallel_loop3A_236 = vector.broadcast %parallel_loop3A_235 : f32 to vector<16xf32>
      %parallel_loop3A_237 = arith.mulf %parallel_loop3A_234, %parallel_loop3A_236 : vector<16xf32>
      %parallel_loop3A_238 = arith.constant 1 : i32
      %parallel_loop3A_239 = vector.broadcast %parallel_loop3A_238 : i32 to vector<16xi32>
      %parallel_loop3A_240 = arith.addi %parallel_loop3A_233, %parallel_loop3A_239 : vector<16xi32>
      %parallel_loop3A_241 = arith.sitofp %parallel_loop3A_240 : vector<16xi32> to vector<16xf32>
      %parallel_loop3A_242 = arith.constant 7.812500e-01 : f32
      %parallel_loop3A_243 = vector.broadcast %parallel_loop3A_242 : f32 to vector<16xf32>
      %parallel_loop3A_244 = arith.mulf %parallel_loop3A_241, %parallel_loop3A_243 : vector<16xf32>
      %parallel_loop3A_245 = arith.cmpf ole, %parallel_loop3A_223, %parallel_loop3A_237 : vector<16xf32>
      %parallel_loop3A_246 = arith.constant 1 : i32
      %parallel_loop3A_247 = vector.broadcast %parallel_loop3A_246 : i32 to vector<16xi32>
      %parallel_loop3A_248 = arith.subi %parallel_loop3A_233, %parallel_loop3A_247 : vector<16xi32>
      %parallel_loop3A_249 = arith.cmpf ogt, %parallel_loop3A_223, %parallel_loop3A_244 : vector<16xf32>
      %parallel_loop3A_250 = arith.constant 1 : i32
      %parallel_loop3A_251 = vector.broadcast %parallel_loop3A_250 : i32 to vector<16xi32>
      %parallel_loop3A_252 = arith.addi %parallel_loop3A_233, %parallel_loop3A_251 : vector<16xi32>
      %parallel_loop3A_253 = arith.select %parallel_loop3A_249, %parallel_loop3A_252, %parallel_loop3A_233 : vector<16xi1>, vector<16xi32>
      %parallel_loop3A_254 = arith.select %parallel_loop3A_245, %parallel_loop3A_248, %parallel_loop3A_253 : vector<16xi1>, vector<16xi32>
      %parallel_loop3A_255 = arith.constant 0 : i32
      %parallel_loop3A_256 = arith.constant 63 : i32
      %parallel_loop3A_257 = vector.broadcast %parallel_loop3A_255 : i32 to vector<16xi32>
      %parallel_loop3A_258 = arith.maxsi %parallel_loop3A_257, %parallel_loop3A_254 : vector<16xi32>
      %parallel_loop3A_259 = vector.broadcast %parallel_loop3A_256 : i32 to vector<16xi32>
      %parallel_loop3A_260 = arith.minsi %parallel_loop3A_259, %parallel_loop3A_258 : vector<16xi32>
      %parallel_loop3A_261 = arith.index_cast %parallel_loop3A_215 : i32 to index
      %parallel_loop3A_262 = tpu.vector_load %arg6[%parallel_loop3A_261] {strides = array<i32>} : memref<8192xi32, #tpu.memory_space<vmem>>, vector<16xi32>,
      tpu.vector_store %arg6[%parallel_loop3A_261], %parallel_loop3A_260 {strides = array<i32>} : memref<8192xi32, #tpu.memory_space<vmem>>, vector<16xi32>,
    } {sc.loop_unroll_factor = 1 : i64, sc.parallel_access}
    %barrier3A = arith.constant 0 : index
    tpu.barrier barrier_id(%barrier3A)
    %dma_start3A = arith.constant 0 : i32
    %dma_start3A_22 = arith.constant 0 : i32
    %dma_start3A_23 = arith.constant 0 : i32
    %dma_start3A_24 = arith.constant 0 : i32
    %dma_start3A_25 = tpu.memref_slice %arg8[%dma_start3A, %dma_start3A_23, %dma_start3A_24] : memref<6x128x128xf32, #tpu.memory_space<vmem>> -> memref<1x128x128xf32, #tpu.memory_space<vmem>>
    %dma_start3A_26 = tpu.memref_squeeze %dma_start3A_25 : memref<1x128x128xf32, #tpu.memory_space<vmem>> -> memref<128x128xf32, #tpu.memory_space<vmem>>
    %dma_start3A_27 = arith.constant 0 : i32
    %dma_start3A_28 = tpu.memref_slice %arg6[%dma_start3A_27] : memref<8192xi32, #tpu.memory_space<vmem>> -> memref<128xi32, #tpu.memory_space<vmem>>
    %dma_start3A_29 = arith.constant 0 : i32
    %dma_start3A_30 = arith.constant 0 : i32
    %dma_start3A_31 = tpu.memref_slice %arg7[%dma_start3A_29, %dma_start3A_30] : memref<64x128xf32, #tpu.memory_space<vmem_shared>> -> memref<64x128xf32, #tpu.memory_space<vmem_shared>>
    %dma_start3A_32 = tpu.memref_slice %arg9[%dma_start3A_22] : memref<6x!tpu.dma_semaphore, #tpu.memory_space<semaphore_mem>> -> memref<1x!tpu.dma_semaphore, #tpu.memory_space<semaphore_mem>>
    %dma_start3A_33 = tpu.memref_squeeze %dma_start3A_32 : memref<1x!tpu.dma_semaphore, #tpu.memory_space<semaphore_mem>> -> memref<!tpu.dma_semaphore, #tpu.memory_space<semaphore_mem>>
    tpu.enqueue_indirect_dma source(%dma_start3A_31 : memref<64x128xf32, #tpu.memory_space<vmem_shared>>) target(%dma_start3A_26 : memref<128x128xf32, #tpu.memory_space<vmem>>) offsets(%dma_start3A_28 : memref<128xi32, #tpu.memory_space<vmem>>) semaphore(%dma_start3A_33 : memref<!tpu.dma_semaphore, #tpu.memory_space<semaphore_mem>>)
    %dma_start3A_34 = arith.constant 1 : i32
    %dma_start3A_35 = arith.constant 1 : i32
    %dma_start3A_36 = arith.constant 0 : i32
    %dma_start3A_37 = arith.constant 0 : i32
    %dma_start3A_38 = tpu.memref_slice %arg8[%dma_start3A_34, %dma_start3A_36, %dma_start3A_37] : memref<6x128x128xf32, #tpu.memory_space<vmem>> -> memref<1x128x128xf32, #tpu.memory_space<vmem>>
    %dma_start3A_39 = tpu.memref_squeeze %dma_start3A_38 : memref<1x128x128xf32, #tpu.memory_space<vmem>> -> memref<128x128xf32, #tpu.memory_space<vmem>>
    %dma_start3A_40 = arith.constant 128 : i32
    %dma_start3A_41 = tpu.memref_slice %arg6[%dma_start3A_40] : memref<8192xi32, #tpu.memory_space<vmem>> -> memref<128xi32, #tpu.memory_space<vmem>>
    %dma_start3A_42 = arith.constant 0 : i32
    %dma_start3A_43 = arith.constant 0 : i32
    %dma_start3A_44 = tpu.memref_slice %arg7[%dma_start3A_42, %dma_start3A_43] : memref<64x128xf32, #tpu.memory_space<vmem_shared>> -> memref<64x128xf32, #tpu.memory_space<vmem_shared>>
    %dma_start3A_45 = tpu.memref_slice %arg9[%dma_start3A_35] : memref<6x!tpu.dma_semaphore, #tpu.memory_space<semaphore_mem>> -> memref<1x!tpu.dma_semaphore, #tpu.memory_space<semaphore_mem>>
    %dma_start3A_46 = tpu.memref_squeeze %dma_start3A_45 : memref<1x!tpu.dma_semaphore, #tpu.memory_space<semaphore_mem>> -> memref<!tpu.dma_semaphore, #tpu.memory_space<semaphore_mem>>
    tpu.enqueue_indirect_dma source(%dma_start3A_44 : memref<64x128xf32, #tpu.memory_space<vmem_shared>>) target(%dma_start3A_39 : memref<128x128xf32, #tpu.memory_space<vmem>>) offsets(%dma_start3A_41 : memref<128xi32, #tpu.memory_space<vmem>>) semaphore(%dma_start3A_46 : memref<!tpu.dma_semaphore, #tpu.memory_space<semaphore_mem>>)
    %dma_start3A_47 = arith.constant 2 : i32
    %dma_start3A_48 = arith.constant 2 : i32
    %dma_start3A_49 = arith.constant 0 : i32
    %dma_start3A_50 = arith.constant 0 : i32
    %dma_start3A_51 = tpu.memref_slice %arg8[%dma_start3A_47, %dma_start3A_49, %dma_start3A_50] : memref<6x128x128xf32, #tpu.memory_space<vmem>> -> memref<1x128x128xf32, #tpu.memory_space<vmem>>
    %dma_start3A_52 = tpu.memref_squeeze %dma_start3A_51 : memref<1x128x128xf32, #tpu.memory_space<vmem>> -> memref<128x128xf32, #tpu.memory_space<vmem>>
    %dma_start3A_53 = arith.constant 256 : i32
    %dma_start3A_54 = tpu.memref_slice %arg6[%dma_start3A_53] : memref<8192xi32, #tpu.memory_space<vmem>> -> memref<128xi32, #tpu.memory_space<vmem>>
    %dma_start3A_55 = arith.constant 0 : i32
    %dma_start3A_56 = arith.constant 0 : i32
    %dma_start3A_57 = tpu.memref_slice %arg7[%dma_start3A_55, %dma_start3A_56] : memref<64x128xf32, #tpu.memory_space<vmem_shared>> -> memref<64x128xf32, #tpu.memory_space<vmem_shared>>
    %dma_start3A_58 = tpu.memref_slice %arg9[%dma_start3A_48] : memref<6x!tpu.dma_semaphore, #tpu.memory_space<semaphore_mem>> -> memref<1x!tpu.dma_semaphore, #tpu.memory_space<semaphore_mem>>
    %dma_start3A_59 = tpu.memref_squeeze %dma_start3A_58 : memref<1x!tpu.dma_semaphore, #tpu.memory_space<semaphore_mem>> -> memref<!tpu.dma_semaphore, #tpu.memory_space<semaphore_mem>>
    tpu.enqueue_indirect_dma source(%dma_start3A_57 : memref<64x128xf32, #tpu.memory_space<vmem_shared>>) target(%dma_start3A_52 : memref<128x128xf32, #tpu.memory_space<vmem>>) offsets(%dma_start3A_54 : memref<128xi32, #tpu.memory_space<vmem>>) semaphore(%dma_start3A_59 : memref<!tpu.dma_semaphore, #tpu.memory_space<semaphore_mem>>)
    %dma_start3A_60 = arith.constant 3 : i32
    %dma_start3A_61 = arith.constant 3 : i32
    %dma_start3A_62 = arith.constant 0 : i32
    %dma_start3A_63 = arith.constant 0 : i32
    %dma_start3A_64 = tpu.memref_slice %arg8[%dma_start3A_60, %dma_start3A_62, %dma_start3A_63] : memref<6x128x128xf32, #tpu.memory_space<vmem>> -> memref<1x128x128xf32, #tpu.memory_space<vmem>>
    %dma_start3A_65 = tpu.memref_squeeze %dma_start3A_64 : memref<1x128x128xf32, #tpu.memory_space<vmem>> -> memref<128x128xf32, #tpu.memory_space<vmem>>
    %dma_start3A_66 = arith.constant 384 : i32
    %dma_start3A_67 = tpu.memref_slice %arg6[%dma_start3A_66] : memref<8192xi32, #tpu.memory_space<vmem>> -> memref<128xi32, #tpu.memory_space<vmem>>
    %dma_start3A_68 = arith.constant 0 : i32
    %dma_start3A_69 = arith.constant 0 : i32
    %dma_start3A_70 = tpu.memref_slice %arg7[%dma_start3A_68, %dma_start3A_69] : memref<64x128xf32, #tpu.memory_space<vmem_shared>> -> memref<64x128xf32, #tpu.memory_space<vmem_shared>>
    %dma_start3A_71 = tpu.memref_slice %arg9[%dma_start3A_61] : memref<6x!tpu.dma_semaphore, #tpu.memory_space<semaphore_mem>> -> memref<1x!tpu.dma_semaphore, #tpu.memory_space<semaphore_mem>>
    %dma_start3A_72 = tpu.memref_squeeze %dma_start3A_71 : memref<1x!tpu.dma_semaphore, #tpu.memory_space<semaphore_mem>> -> memref<!tpu.dma_semaphore, #tpu.memory_space<semaphore_mem>>
    tpu.enqueue_indirect_dma source(%dma_start3A_70 : memref<64x128xf32, #tpu.memory_space<vmem_shared>>) target(%dma_start3A_65 : memref<128x128xf32, #tpu.memory_space<vmem>>) offsets(%dma_start3A_67 : memref<128xi32, #tpu.memory_space<vmem>>) semaphore(%dma_start3A_72 : memref<!tpu.dma_semaphore, #tpu.memory_space<semaphore_mem>>)
    %dma_start3A_73 = arith.constant 4 : i32
    %dma_start3A_74 = arith.constant 4 : i32
    %dma_start3A_75 = arith.constant 0 : i32
    %dma_start3A_76 = arith.constant 0 : i32
    %dma_start3A_77 = tpu.memref_slice %arg8[%dma_start3A_73, %dma_start3A_75, %dma_start3A_76] : memref<6x128x128xf32, #tpu.memory_space<vmem>> -> memref<1x128x128xf32, #tpu.memory_space<vmem>>
    %dma_start3A_78 = tpu.memref_squeeze %dma_start3A_77 : memref<1x128x128xf32, #tpu.memory_space<vmem>> -> memref<128x128xf32, #tpu.memory_space<vmem>>
    %dma_start3A_79 = arith.constant 512 : i32
    %dma_start3A_80 = tpu.memref_slice %arg6[%dma_start3A_79] : memref<8192xi32, #tpu.memory_space<vmem>> -> memref<128xi32, #tpu.memory_space<vmem>>
    %dma_start3A_81 = arith.constant 0 : i32
    %dma_start3A_82 = arith.constant 0 : i32
    %dma_start3A_83 = tpu.memref_slice %arg7[%dma_start3A_81, %dma_start3A_82] : memref<64x128xf32, #tpu.memory_space<vmem_shared>> -> memref<64x128xf32, #tpu.memory_space<vmem_shared>>
    %dma_start3A_84 = tpu.memref_slice %arg9[%dma_start3A_74] : memref<6x!tpu.dma_semaphore, #tpu.memory_space<semaphore_mem>> -> memref<1x!tpu.dma_semaphore, #tpu.memory_space<semaphore_mem>>
    %dma_start3A_85 = tpu.memref_squeeze %dma_start3A_84 : memref<1x!tpu.dma_semaphore, #tpu.memory_space<semaphore_mem>> -> memref<!tpu.dma_semaphore, #tpu.memory_space<semaphore_mem>>
    tpu.enqueue_indirect_dma source(%dma_start3A_83 : memref<64x128xf32, #tpu.memory_space<vmem_shared>>) target(%dma_start3A_78 : memref<128x128xf32, #tpu.memory_space<vmem>>) offsets(%dma_start3A_80 : memref<128xi32, #tpu.memory_space<vmem>>) semaphore(%dma_start3A_85 : memref<!tpu.dma_semaphore, #tpu.memory_space<semaphore_mem>>)
    %dma_start3A_86 = arith.constant 5 : i32
    %dma_start3A_87 = arith.constant 5 : i32
    %dma_start3A_88 = arith.constant 0 : i32
    %dma_start3A_89 = arith.constant 0 : i32
    %dma_start3A_90 = tpu.memref_slice %arg8[%dma_start3A_86, %dma_start3A_88, %dma_start3A_89] : memref<6x128x128xf32, #tpu.memory_space<vmem>> -> memref<1x128x128xf32, #tpu.memory_space<vmem>>
    %dma_start3A_91 = tpu.memref_squeeze %dma_start3A_90 : memref<1x128x128xf32, #tpu.memory_space<vmem>> -> memref<128x128xf32, #tpu.memory_space<vmem>>
    %dma_start3A_92 = arith.constant 640 : i32
    %dma_start3A_93 = tpu.memref_slice %arg6[%dma_start3A_92] : memref<8192xi32, #tpu.memory_space<vmem>> -> memref<128xi32, #tpu.memory_space<vmem>>
    %dma_start3A_94 = arith.constant 0 : i32
    %dma_start3A_95 = arith.constant 0 : i32
    %dma_start3A_96 = tpu.memref_slice %arg7[%dma_start3A_94, %dma_start3A_95] : memref<64x128xf32, #tpu.memory_space<vmem_shared>> -> memref<64x128xf32, #tpu.memory_space<vmem_shared>>
    %dma_start3A_97 = tpu.memref_slice %arg9[%dma_start3A_87] : memref<6x!tpu.dma_semaphore, #tpu.memory_space<semaphore_mem>> -> memref<1x!tpu.dma_semaphore, #tpu.memory_space<semaphore_mem>>
    %dma_start3A_98 = tpu.memref_squeeze %dma_start3A_97 : memref<1x!tpu.dma_semaphore, #tpu.memory_space<semaphore_mem>> -> memref<!tpu.dma_semaphore, #tpu.memory_space<semaphore_mem>>
    tpu.enqueue_indirect_dma source(%dma_start3A_96 : memref<64x128xf32, #tpu.memory_space<vmem_shared>>) target(%dma_start3A_91 : memref<128x128xf32, #tpu.memory_space<vmem>>) offsets(%dma_start3A_93 : memref<128xi32, #tpu.memory_space<vmem>>) semaphore(%dma_start3A_98 : memref<!tpu.dma_semaphore, #tpu.memory_space<semaphore_mem>>)
    %scan3A = arith.constant 0 : i32
    %scan3A_99 = arith.constant 0 : i32
    %scan3A_100 = arith.constant 64 : i32
    %scan3A_101 = arith.addi %scan3A_99, %scan3A_100 : i32
    %scan3A_102 = arith.constant 1 : i32
    scf.for %scan3A_211 = %scan3A_99 to %scan3A_101 step %scan3A_102  : i32 {
      %rem3A = arith.constant 6 : i32
      %rem3A_212 = arith.remsi %scan3A_211, %rem3A : i32
      %mul3A_213 = arith.constant 128 : i32
      %mul3A_214 = arith.muli %scan3A_211, %mul3A_213 : i32
      %dma_wait3A_215 = arith.constant 0 : i32
      %dma_wait3A_216 = arith.constant 0 : i32
      %dma_wait3A_217 = tpu.memref_slice %arg8[%rem3A_212, %dma_wait3A_215, %dma_wait3A_216] : memref<6x128x128xf32, #tpu.memory_space<vmem>> -> memref<1x128x128xf32, #tpu.memory_space<vmem>>
      %dma_wait3A_218 = tpu.memref_squeeze %dma_wait3A_217 : memref<1x128x128xf32, #tpu.memory_space<vmem>> -> memref<128x128xf32, #tpu.memory_space<vmem>>
      %dma_wait3A_219 = tpu.memref_slice %arg6[%mul3A_214] : memref<8192xi32, #tpu.memory_space<vmem>> -> memref<128xi32, #tpu.memory_space<vmem>>
      %dma_wait3A_220 = arith.constant 0 : i32
      %dma_wait3A_221 = arith.constant 0 : i32
      %dma_wait3A_222 = tpu.memref_slice %arg7[%dma_wait3A_220, %dma_wait3A_221] : memref<64x128xf32, #tpu.memory_space<vmem_shared>> -> memref<64x128xf32, #tpu.memory_space<vmem_shared>>
      %dma_wait3A_223 = tpu.memref_slice %arg9[%rem3A_212] : memref<6x!tpu.dma_semaphore, #tpu.memory_space<semaphore_mem>> -> memref<1x!tpu.dma_semaphore, #tpu.memory_space<semaphore_mem>>
      %dma_wait3A_224 = tpu.memref_squeeze %dma_wait3A_223 : memref<1x!tpu.dma_semaphore, #tpu.memory_space<semaphore_mem>> -> memref<!tpu.dma_semaphore, #tpu.memory_space<semaphore_mem>>
      tpu.wait_indirect_dma semaphore(%dma_wait3A_224 : memref<!tpu.dma_semaphore, #tpu.memory_space<semaphore_mem>>) src(%dma_wait3A_222 : memref<64x128xf32, #tpu.memory_space<vmem_shared>>) dst(%dma_wait3A_218 : memref<128x128xf32, #tpu.memory_space<vmem>>)
      %mul3A_225 = arith.constant 128 : i32
      %mul3A_226 = arith.muli %scan3A_211, %mul3A_225 : i32
      %add3A_227 = arith.addi %mul3A_2, %mul3A_226 : i32
      %dma_start3A_228 = arith.constant 0 : i32
      %dma_start3A_229 = arith.constant 0 : i32
      %dma_start3A_230 = tpu.memref_slice %arg8[%rem3A_212, %dma_start3A_228, %dma_start3A_229] : memref<6x128x128xf32, #tpu.memory_space<vmem>> -> memref<1x128x128xf32, #tpu.memory_space<vmem>>
      %dma_start3A_231 = tpu.memref_squeeze %dma_start3A_230 : memref<1x128x128xf32, #tpu.memory_space<vmem>> -> memref<128x128xf32, #tpu.memory_space<vmem>>
      %dma_start3A_232 = arith.constant 0 : i32
      %dma_start3A_233 = tpu.memref_slice %arg4[%add3A_227, %dma_start3A_232] : memref<262144x128xf32, #tpu.memory_space<hbm>> -> memref<128x128xf32, #tpu.memory_space<hbm>>
      %dma_start3A_234 = tpu.memref_slice %arg10[%rem3A_212] : memref<6x!tpu.dma_semaphore, #tpu.memory_space<semaphore_mem>> -> memref<1x!tpu.dma_semaphore, #tpu.memory_space<semaphore_mem>>
      %dma_start3A_235 = tpu.memref_squeeze %dma_start3A_234 : memref<1x!tpu.dma_semaphore, #tpu.memory_space<semaphore_mem>> -> memref<!tpu.dma_semaphore, #tpu.memory_space<semaphore_mem>>
      %dma_start3A_236 = arith.constant 0 : i32
      %dma_start3A_237 = tpu.memref_slice %arg4[%add3A_227, %dma_start3A_236] : memref<262144x128xf32, #tpu.memory_space<hbm>> -> memref<128x128xf32, #tpu.memory_space<hbm>>
      %dma_start3A_238 = arith.constant 0 : i32
      %dma_start3A_239 = arith.constant 0 : i32
      %dma_start3A_240 = tpu.memref_slice %arg8[%rem3A_212, %dma_start3A_238, %dma_start3A_239] : memref<6x128x128xf32, #tpu.memory_space<vmem>> -> memref<1x128x128xf32, #tpu.memory_space<vmem>>
      %dma_start3A_241 = tpu.memref_squeeze %dma_start3A_240 : memref<1x128x128xf32, #tpu.memory_space<vmem>> -> memref<128x128xf32, #tpu.memory_space<vmem>>
      tpu.enqueue_dma source(%dma_start3A_241 : memref<128x128xf32, #tpu.memory_space<vmem>>) target(%dma_start3A_237 : memref<128x128xf32, #tpu.memory_space<hbm>>) target_semaphore(%dma_start3A_235 : memref<!tpu.dma_semaphore, #tpu.memory_space<semaphore_mem>>)
      %add3A_242 = arith.constant 6 : i32
      %add3A_243 = arith.addi %scan3A_211, %add3A_242 : i32
      %lt3A = arith.constant 64 : i32
      %lt3A_244 = arith.cmpi slt, %add3A_243, %lt3A : i32
      %convert_element_type3A_245 = arith.extui %lt3A_244 : i1 to i32
      %cond3A_246 = arith.constant 0 : i32
      %cond3A_247 = arith.cmpi ne, %convert_element_type3A_245, %cond3A_246 : i32
      scf.if %cond3A_247 {
        %add3A_263 = arith.constant 6 : i32
        %add3A_264 = arith.addi %scan3A_211, %add3A_263 : i32
        %parallel_loop3A_265 = arith.constant 0 : i32
        %parallel_loop3A_266 = arith.constant 8 : i32
        %parallel_loop3A_267 = arith.constant 1 : i32
        scf.for %parallel_loop3A_268 = %parallel_loop3A_265 to %parallel_loop3A_266 step %parallel_loop3A_267  : i32 {
          %parallel_loop3A_269 = arith.constant 128 : i32
          %parallel_loop3A_270 = arith.muli %add3A_264, %parallel_loop3A_269 : i32
          %parallel_loop3A_271 = arith.constant 16 : i32
          %parallel_loop3A_272 = arith.muli %parallel_loop3A_268, %parallel_loop3A_271 : i32
          %parallel_loop3A_273 = arith.addi %parallel_loop3A_270, %parallel_loop3A_272 : i32
          %parallel_loop3A_274 = arith.index_cast %parallel_loop3A_273 : i32 to index
          %parallel_loop3A_275 = tpu.vector_load %arg5[%parallel_loop3A_274] {strides = array<i32>} : memref<8192xf32, #tpu.memory_space<vmem>>, vector<16xf32>,
          %parallel_loop3A_276 = arith.constant 0.000000e+00 : f32
          %parallel_loop3A_277 = vector.broadcast %parallel_loop3A_276 : f32 to vector<16xf32>
          %parallel_loop3A_278 = arith.maximumf %parallel_loop3A_275, %parallel_loop3A_277 : vector<16xf32>
          %parallel_loop3A_279 = arith.constant 5.000000e+01 : f32
          %parallel_loop3A_280 = vector.broadcast %parallel_loop3A_279 : f32 to vector<16xf32>
          %parallel_loop3A_281 = arith.minimumf %parallel_loop3A_278, %parallel_loop3A_280 : vector<16xf32>
          %parallel_loop3A_282 = arith.constant 1.280000e+00 : f32
          %parallel_loop3A_283 = vector.broadcast %parallel_loop3A_282 : f32 to vector<16xf32>
          %parallel_loop3A_284 = arith.mulf %parallel_loop3A_281, %parallel_loop3A_283 : vector<16xf32>
          %parallel_loop3A_285 = arith.fptosi %parallel_loop3A_284 : vector<16xf32> to vector<16xi32>
          %parallel_loop3A_286 = arith.constant 0 : i32
          %parallel_loop3A_287 = arith.constant 63 : i32
          %parallel_loop3A_288 = vector.broadcast %parallel_loop3A_286 : i32 to vector<16xi32>
          %parallel_loop3A_289 = arith.maxsi %parallel_loop3A_288, %parallel_loop3A_285 : vector<16xi32>
          %parallel_loop3A_290 = vector.broadcast %parallel_loop3A_287 : i32 to vector<16xi32>
          %parallel_loop3A_291 = arith.minsi %parallel_loop3A_290, %parallel_loop3A_289 : vector<16xi32>
          %parallel_loop3A_292 = arith.sitofp %parallel_loop3A_291 : vector<16xi32> to vector<16xf32>
          %parallel_loop3A_293 = arith.constant 7.812500e-01 : f32
          %parallel_loop3A_294 = vector.broadcast %parallel_loop3A_293 : f32 to vector<16xf32>
          %parallel_loop3A_295 = arith.mulf %parallel_loop3A_292, %parallel_loop3A_294 : vector<16xf32>
          %parallel_loop3A_296 = arith.constant 1 : i32
          %parallel_loop3A_297 = vector.broadcast %parallel_loop3A_296 : i32 to vector<16xi32>
          %parallel_loop3A_298 = arith.addi %parallel_loop3A_291, %parallel_loop3A_297 : vector<16xi32>
          %parallel_loop3A_299 = arith.sitofp %parallel_loop3A_298 : vector<16xi32> to vector<16xf32>
          %parallel_loop3A_300 = arith.constant 7.812500e-01 : f32
          %parallel_loop3A_301 = vector.broadcast %parallel_loop3A_300 : f32 to vector<16xf32>
          %parallel_loop3A_302 = arith.mulf %parallel_loop3A_299, %parallel_loop3A_301 : vector<16xf32>
          %parallel_loop3A_303 = arith.cmpf ole, %parallel_loop3A_281, %parallel_loop3A_295 : vector<16xf32>
          %parallel_loop3A_304 = arith.constant 1 : i32
          %parallel_loop3A_305 = vector.broadcast %parallel_loop3A_304 : i32 to vector<16xi32>
          %parallel_loop3A_306 = arith.subi %parallel_loop3A_291, %parallel_loop3A_305 : vector<16xi32>
          %parallel_loop3A_307 = arith.cmpf ogt, %parallel_loop3A_281, %parallel_loop3A_302 : vector<16xf32>
          %parallel_loop3A_308 = arith.constant 1 : i32
          %parallel_loop3A_309 = vector.broadcast %parallel_loop3A_308 : i32 to vector<16xi32>
          %parallel_loop3A_310 = arith.addi %parallel_loop3A_291, %parallel_loop3A_309 : vector<16xi32>
          %parallel_loop3A_311 = arith.select %parallel_loop3A_307, %parallel_loop3A_310, %parallel_loop3A_291 : vector<16xi1>, vector<16xi32>
          %parallel_loop3A_312 = arith.select %parallel_loop3A_303, %parallel_loop3A_306, %parallel_loop3A_311 : vector<16xi1>, vector<16xi32>
          %parallel_loop3A_313 = arith.constant 0 : i32
          %parallel_loop3A_314 = arith.constant 63 : i32
          %parallel_loop3A_315 = vector.broadcast %parallel_loop3A_313 : i32 to vector<16xi32>
          %parallel_loop3A_316 = arith.maxsi %parallel_loop3A_315, %parallel_loop3A_312 : vector<16xi32>
          %parallel_loop3A_317 = vector.broadcast %parallel_loop3A_314 : i32 to vector<16xi32>
          %parallel_loop3A_318 = arith.minsi %parallel_loop3A_317, %parallel_loop3A_316 : vector<16xi32>
          %parallel_loop3A_319 = arith.index_cast %parallel_loop3A_273 : i32 to index
          %parallel_loop3A_320 = tpu.vector_load %arg6[%parallel_loop3A_319] {strides = array<i32>} : memref<8192xi32, #tpu.memory_space<vmem>>, vector<16xi32>,
          tpu.vector_store %arg6[%parallel_loop3A_319], %parallel_loop3A_318 {strides = array<i32>} : memref<8192xi32, #tpu.memory_space<vmem>>, vector<16xi32>,
        } {sc.loop_unroll_factor = 1 : i64, sc.parallel_access}
      } else {
      }
      %sub3A = arith.constant 2 : i32
      %sub3A_248 = arith.subi %scan3A_211, %sub3A : i32
      %add3A_249 = arith.constant 6 : i32
      %add3A_250 = arith.addi %scan3A_211, %add3A_249 : i32
      %sub3A_251 = arith.constant 2 : i32
      %sub3A_252 = arith.subi %add3A_250, %sub3A_251 : i32
      %rem3A_253 = arith.constant 6 : i32
      %rem3A_254 = arith.remsi %sub3A_252, %rem3A_253 : i32
      %ge3A = arith.constant 0 : i32
      %ge3A_255 = arith.cmpi sge, %sub3A_248, %ge3A : i32
      %add3A_256 = arith.constant 6 : i32
      %add3A_257 = arith.addi %sub3A_248, %add3A_256 : i32
      %lt3A_258 = arith.constant 64 : i32
      %lt3A_259 = arith.cmpi slt, %add3A_257, %lt3A_258 : i32
      %and3A = arith.andi %ge3A_255, %lt3A_259 : i1
      %convert_element_type3A_260 = arith.extui %and3A : i1 to i32
      %cond3A_261 = arith.constant 0 : i32
      %cond3A_262 = arith.cmpi ne, %convert_element_type3A_260, %cond3A_261 : i32
      scf.if %cond3A_262 {
        %mul3A_263 = arith.constant 128 : i32
        %mul3A_264 = arith.muli %sub3A_248, %mul3A_263 : i32
        %add3A_265 = arith.addi %mul3A_2, %mul3A_264 : i32
        %dma_wait3A_266 = arith.constant 0 : i32
        %dma_wait3A_267 = arith.constant 0 : i32
        %dma_wait3A_268 = tpu.memref_slice %arg8[%rem3A_254, %dma_wait3A_266, %dma_wait3A_267] : memref<6x128x128xf32, #tpu.memory_space<vmem>> -> memref<1x128x128xf32, #tpu.memory_space<vmem>>
        %dma_wait3A_269 = tpu.memref_squeeze %dma_wait3A_268 : memref<1x128x128xf32, #tpu.memory_space<vmem>> -> memref<128x128xf32, #tpu.memory_space<vmem>>
        %dma_wait3A_270 = arith.constant 0 : i32
        %dma_wait3A_271 = tpu.memref_slice %arg4[%add3A_265, %dma_wait3A_270] : memref<262144x128xf32, #tpu.memory_space<hbm>> -> memref<128x128xf32, #tpu.memory_space<hbm>>
        %dma_wait3A_272 = tpu.memref_slice %arg10[%rem3A_254] : memref<6x!tpu.dma_semaphore, #tpu.memory_space<semaphore_mem>> -> memref<1x!tpu.dma_semaphore, #tpu.memory_space<semaphore_mem>>
        %dma_wait3A_273 = tpu.memref_squeeze %dma_wait3A_272 : memref<1x!tpu.dma_semaphore, #tpu.memory_space<semaphore_mem>> -> memref<!tpu.dma_semaphore, #tpu.memory_space<semaphore_mem>>
        %dma_wait3A_274 = arith.constant 0 : i32
        %dma_wait3A_275 = tpu.memref_slice %arg4[%add3A_265, %dma_wait3A_274] : memref<262144x128xf32, #tpu.memory_space<hbm>> -> memref<128x128xf32, #tpu.memory_space<hbm>>
        %dma_wait3A_276 = arith.constant 0 : i32
        %dma_wait3A_277 = arith.constant 0 : i32
        %dma_wait3A_278 = tpu.memref_slice %arg8[%rem3A_254, %dma_wait3A_276, %dma_wait3A_277] : memref<6x128x128xf32, #tpu.memory_space<vmem>> -> memref<1x128x128xf32, #tpu.memory_space<vmem>>
        %dma_wait3A_279 = tpu.memref_squeeze %dma_wait3A_278 : memref<1x128x128xf32, #tpu.memory_space<vmem>> -> memref<128x128xf32, #tpu.memory_space<vmem>>
        tpu.wait_dma2 semaphore(%dma_wait3A_273 : memref<!tpu.dma_semaphore, #tpu.memory_space<semaphore_mem>>) src(%dma_wait3A_279 : memref<128x128xf32, #tpu.memory_space<vmem>>) dst(%dma_wait3A_275 : memref<128x128xf32, #tpu.memory_space<hbm>>)
        %add3A_280 = arith.constant 6 : i32
        %add3A_281 = arith.addi %sub3A_248, %add3A_280 : i32
        %mul3A_282 = arith.constant 128 : i32
        %mul3A_283 = arith.muli %add3A_281, %mul3A_282 : i32
        %dma_start3A_284 = arith.constant 0 : i32
        %dma_start3A_285 = arith.constant 0 : i32
        %dma_start3A_286 = tpu.memref_slice %arg8[%rem3A_254, %dma_start3A_284, %dma_start3A_285] : memref<6x128x128xf32, #tpu.memory_space<vmem>> -> memref<1x128x128xf32, #tpu.memory_space<vmem>>
        %dma_start3A_287 = tpu.memref_squeeze %dma_start3A_286 : memref<1x128x128xf32, #tpu.memory_space<vmem>> -> memref<128x128xf32, #tpu.memory_space<vmem>>
        %dma_start3A_288 = tpu.memref_slice %arg6[%mul3A_283] : memref<8192xi32, #tpu.memory_space<vmem>> -> memref<128xi32, #tpu.memory_space<vmem>>
        %dma_start3A_289 = arith.constant 0 : i32
        %dma_start3A_290 = arith.constant 0 : i32
        %dma_start3A_291 = tpu.memref_slice %arg7[%dma_start3A_289, %dma_start3A_290] : memref<64x128xf32, #tpu.memory_space<vmem_shared>> -> memref<64x128xf32, #tpu.memory_space<vmem_shared>>
        %dma_start3A_292 = tpu.memref_slice %arg9[%rem3A_254] : memref<6x!tpu.dma_semaphore, #tpu.memory_space<semaphore_mem>> -> memref<1x!tpu.dma_semaphore, #tpu.memory_space<semaphore_mem>>
        %dma_start3A_293 = tpu.memref_squeeze %dma_start3A_292 : memref<1x!tpu.dma_semaphore, #tpu.memory_space<semaphore_mem>> -> memref<!tpu.dma_semaphore, #tpu.memory_space<semaphore_mem>>
        tpu.enqueue_indirect_dma source(%dma_start3A_291 : memref<64x128xf32, #tpu.memory_space<vmem_shared>>) target(%dma_start3A_287 : memref<128x128xf32, #tpu.memory_space<vmem>>) offsets(%dma_start3A_288 : memref<128xi32, #tpu.memory_space<vmem>>) semaphore(%dma_start3A_293 : memref<!tpu.dma_semaphore, #tpu.memory_space<semaphore_mem>>)
      } else {
      }
    }
    %scan3A_103 = arith.constant 64 : i32
    %add3A_104 = arith.constant 7424 : i32
    %add3A_105 = arith.addi %mul3A_2, %add3A_104 : i32
    %dma_wait3A = arith.constant 4 : i32
    %dma_wait3A_106 = arith.constant 4 : i32
    %dma_wait3A_107 = arith.constant 0 : i32
    %dma_wait3A_108 = arith.constant 0 : i32
    %dma_wait3A_109 = tpu.memref_slice %arg8[%dma_wait3A, %dma_wait3A_107, %dma_wait3A_108] : memref<6x128x128xf32, #tpu.memory_space<vmem>> -> memref<1x128x128xf32, #tpu.memory_space<vmem>>
    %dma_wait3A_110 = tpu.memref_squeeze %dma_wait3A_109 : memref<1x128x128xf32, #tpu.memory_space<vmem>> -> memref<128x128xf32, #tpu.memory_space<vmem>>
    %dma_wait3A_111 = arith.constant 0 : i32
    %dma_wait3A_112 = tpu.memref_slice %arg4[%add3A_105, %dma_wait3A_111] : memref<262144x128xf32, #tpu.memory_space<hbm>> -> memref<128x128xf32, #tpu.memory_space<hbm>>
    %dma_wait3A_113 = tpu.memref_slice %arg10[%dma_wait3A_106] : memref<6x!tpu.dma_semaphore, #tpu.memory_space<semaphore_mem>> -> memref<1x!tpu.dma_semaphore, #tpu.memory_space<semaphore_mem>>
    %dma_wait3A_114 = tpu.memref_squeeze %dma_wait3A_113 : memref<1x!tpu.dma_semaphore, #tpu.memory_space<semaphore_mem>> -> memref<!tpu.dma_semaphore, #tpu.memory_space<semaphore_mem>>
    %dma_wait3A_115 = arith.constant 0 : i32
    %dma_wait3A_116 = tpu.memref_slice %arg4[%add3A_105, %dma_wait3A_115] : memref<262144x128xf32, #tpu.memory_space<hbm>> -> memref<128x128xf32, #tpu.memory_space<hbm>>
    %dma_wait3A_117 = arith.constant 0 : i32
    %dma_wait3A_118 = arith.constant 0 : i32
    %dma_wait3A_119 = tpu.memref_slice %arg8[%dma_wait3A, %dma_wait3A_117, %dma_wait3A_118] : memref<6x128x128xf32, #tpu.memory_space<vmem>> -> memref<1x128x128xf32, #tpu.memory_space<vmem>>
    %dma_wait3A_120 = tpu.memref_squeeze %dma_wait3A_119 : memref<1x128x128xf32, #tpu.memory_space<vmem>> -> memref<128x128xf32, #tpu.memory_space<vmem>>
    tpu.wait_dma2 semaphore(%dma_wait3A_114 : memref<!tpu.dma_semaphore, #tpu.memory_space<semaphore_mem>>) src(%dma_wait3A_120 : memref<128x128xf32, #tpu.memory_space<vmem>>) dst(%dma_wait3A_116 : memref<128x128xf32, #tpu.memory_space<hbm>>)
    %add3A_121 = arith.constant 7552 : i32
    %add3A_122 = arith.addi %mul3A_2, %add3A_121 : i32
    %dma_wait3A_123 = arith.constant 5 : i32
    %dma_wait3A_124 = arith.constant 5 : i32
    %dma_wait3A_125 = arith.constant 0 : i32
    %dma_wait3A_126 = arith.constant 0 : i32
    %dma_wait3A_127 = tpu.memref_slice %arg8[%dma_wait3A_123, %dma_wait3A_125, %dma_wait3A_126] : memref<6x128x128xf32, #tpu.memory_space<vmem>> -> memref<1x128x128xf32, #tpu.memory_space<vmem>>
    %dma_wait3A_128 = tpu.memref_squeeze %dma_wait3A_127 : memref<1x128x128xf32, #tpu.memory_space<vmem>> -> memref<128x128xf32, #tpu.memory_space<vmem>>
    %dma_wait3A_129 = arith.constant 0 : i32
    %dma_wait3A_130 = tpu.memref_slice %arg4[%add3A_122, %dma_wait3A_129] : memref<262144x128xf32, #tpu.memory_space<hbm>> -> memref<128x128xf32, #tpu.memory_space<hbm>>
    %dma_wait3A_131 = tpu.memref_slice %arg10[%dma_wait3A_124] : memref<6x!tpu.dma_semaphore, #tpu.memory_space<semaphore_mem>> -> memref<1x!tpu.dma_semaphore, #tpu.memory_space<semaphore_mem>>
    %dma_wait3A_132 = tpu.memref_squeeze %dma_wait3A_131 : memref<1x!tpu.dma_semaphore, #tpu.memory_space<semaphore_mem>> -> memref<!tpu.dma_semaphore, #tpu.memory_space<semaphore_mem>>
    %dma_wait3A_133 = arith.constant 0 : i32
    %dma_wait3A_134 = tpu.memref_slice %arg4[%add3A_122, %dma_wait3A_133] : memref<262144x128xf32, #tpu.memory_space<hbm>> -> memref<128x128xf32, #tpu.memory_space<hbm>>
    %dma_wait3A_135 = arith.constant 0 : i32
    %dma_wait3A_136 = arith.constant 0 : i32
    %dma_wait3A_137 = tpu.memref_slice %arg8[%dma_wait3A_123, %dma_wait3A_135, %dma_wait3A_136] : memref<6x128x128xf32, #tpu.memory_space<vmem>> -> memref<1x128x128xf32, #tpu.memory_space<vmem>>
    %dma_wait3A_138 = tpu.memref_squeeze %dma_wait3A_137 : memref<1x128x128xf32, #tpu.memory_space<vmem>> -> memref<128x128xf32, #tpu.memory_space<vmem>>
    tpu.wait_dma2 semaphore(%dma_wait3A_132 : memref<!tpu.dma_semaphore, #tpu.memory_space<semaphore_mem>>) src(%dma_wait3A_138 : memref<128x128xf32, #tpu.memory_space<vmem>>) dst(%dma_wait3A_134 : memref<128x128xf32, #tpu.memory_space<hbm>>)
    %add3A_139 = arith.constant 7680 : i32
    %add3A_140 = arith.addi %mul3A_2, %add3A_139 : i32
    %dma_wait3A_141 = arith.constant 0 : i32
    %dma_wait3A_142 = arith.constant 0 : i32
    %dma_wait3A_143 = arith.constant 0 : i32
    %dma_wait3A_144 = arith.constant 0 : i32
    %dma_wait3A_145 = tpu.memref_slice %arg8[%dma_wait3A_141, %dma_wait3A_143, %dma_wait3A_144] : memref<6x128x128xf32, #tpu.memory_space<vmem>> -> memref<1x128x128xf32, #tpu.memory_space<vmem>>
    %dma_wait3A_146 = tpu.memref_squeeze %dma_wait3A_145 : memref<1x128x128xf32, #tpu.memory_space<vmem>> -> memref<128x128xf32, #tpu.memory_space<vmem>>
    %dma_wait3A_147 = arith.constant 0 : i32
    %dma_wait3A_148 = tpu.memref_slice %arg4[%add3A_140, %dma_wait3A_147] : memref<262144x128xf32, #tpu.memory_space<hbm>> -> memref<128x128xf32, #tpu.memory_space<hbm>>
    %dma_wait3A_149 = tpu.memref_slice %arg10[%dma_wait3A_142] : memref<6x!tpu.dma_semaphore, #tpu.memory_space<semaphore_mem>> -> memref<1x!tpu.dma_semaphore, #tpu.memory_space<semaphore_mem>>
    %dma_wait3A_150 = tpu.memref_squeeze %dma_wait3A_149 : memref<1x!tpu.dma_semaphore, #tpu.memory_space<semaphore_mem>> -> memref<!tpu.dma_semaphore, #tpu.memory_space<semaphore_mem>>
    %dma_wait3A_151 = arith.constant 0 : i32
    %dma_wait3A_152 = tpu.memref_slice %arg4[%add3A_140, %dma_wait3A_151] : memref<262144x128xf32, #tpu.memory_space<hbm>> -> memref<128x128xf32, #tpu.memory_space<hbm>>
    %dma_wait3A_153 = arith.constant 0 : i32
    %dma_wait3A_154 = arith.constant 0 : i32
    %dma_wait3A_155 = tpu.memref_slice %arg8[%dma_wait3A_141, %dma_wait3A_153, %dma_wait3A_154] : memref<6x128x128xf32, #tpu.memory_space<vmem>> -> memref<1x128x128xf32, #tpu.memory_space<vmem>>
    %dma_wait3A_156 = tpu.memref_squeeze %dma_wait3A_155 : memref<1x128x128xf32, #tpu.memory_space<vmem>> -> memref<128x128xf32, #tpu.memory_space<vmem>>
    tpu.wait_dma2 semaphore(%dma_wait3A_150 : memref<!tpu.dma_semaphore, #tpu.memory_space<semaphore_mem>>) src(%dma_wait3A_156 : memref<128x128xf32, #tpu.memory_space<vmem>>) dst(%dma_wait3A_152 : memref<128x128xf32, #tpu.memory_space<hbm>>)
    %add3A_157 = arith.constant 7808 : i32
    %add3A_158 = arith.addi %mul3A_2, %add3A_157 : i32
    %dma_wait3A_159 = arith.constant 1 : i32
    %dma_wait3A_160 = arith.constant 1 : i32
    %dma_wait3A_161 = arith.constant 0 : i32
    %dma_wait3A_162 = arith.constant 0 : i32
    %dma_wait3A_163 = tpu.memref_slice %arg8[%dma_wait3A_159, %dma_wait3A_161, %dma_wait3A_162] : memref<6x128x128xf32, #tpu.memory_space<vmem>> -> memref<1x128x128xf32, #tpu.memory_space<vmem>>
    %dma_wait3A_164 = tpu.memref_squeeze %dma_wait3A_163 : memref<1x128x128xf32, #tpu.memory_space<vmem>> -> memref<128x128xf32, #tpu.memory_space<vmem>>
    %dma_wait3A_165 = arith.constant 0 : i32
    %dma_wait3A_166 = tpu.memref_slice %arg4[%add3A_158, %dma_wait3A_165] : memref<262144x128xf32, #tpu.memory_space<hbm>> -> memref<128x128xf32, #tpu.memory_space<hbm>>
    %dma_wait3A_167 = tpu.memref_slice %arg10[%dma_wait3A_160] : memref<6x!tpu.dma_semaphore, #tpu.memory_space<semaphore_mem>> -> memref<1x!tpu.dma_semaphore, #tpu.memory_space<semaphore_mem>>
    %dma_wait3A_168 = tpu.memref_squeeze %dma_wait3A_167 : memref<1x!tpu.dma_semaphore, #tpu.memory_space<semaphore_mem>> -> memref<!tpu.dma_semaphore, #tpu.memory_space<semaphore_mem>>
    %dma_wait3A_169 = arith.constant 0 : i32
    %dma_wait3A_170 = tpu.memref_slice %arg4[%add3A_158, %dma_wait3A_169] : memref<262144x128xf32, #tpu.memory_space<hbm>> -> memref<128x128xf32, #tpu.memory_space<hbm>>
    %dma_wait3A_171 = arith.constant 0 : i32
    %dma_wait3A_172 = arith.constant 0 : i32
    %dma_wait3A_173 = tpu.memref_slice %arg8[%dma_wait3A_159, %dma_wait3A_171, %dma_wait3A_172] : memref<6x128x128xf32, #tpu.memory_space<vmem>> -> memref<1x128x128xf32, #tpu.memory_space<vmem>>
    %dma_wait3A_174 = tpu.memref_squeeze %dma_wait3A_173 : memref<1x128x128xf32, #tpu.memory_space<vmem>> -> memref<128x128xf32, #tpu.memory_space<vmem>>
    tpu.wait_dma2 semaphore(%dma_wait3A_168 : memref<!tpu.dma_semaphore, #tpu.memory_space<semaphore_mem>>) src(%dma_wait3A_174 : memref<128x128xf32, #tpu.memory_space<vmem>>) dst(%dma_wait3A_170 : memref<128x128xf32, #tpu.memory_space<hbm>>)
    %add3A_175 = arith.constant 7936 : i32
    %add3A_176 = arith.addi %mul3A_2, %add3A_175 : i32
    %dma_wait3A_177 = arith.constant 2 : i32
    %dma_wait3A_178 = arith.constant 2 : i32
    %dma_wait3A_179 = arith.constant 0 : i32
    %dma_wait3A_180 = arith.constant 0 : i32
    %dma_wait3A_181 = tpu.memref_slice %arg8[%dma_wait3A_177, %dma_wait3A_179, %dma_wait3A_180] : memref<6x128x128xf32, #tpu.memory_space<vmem>> -> memref<1x128x128xf32, #tpu.memory_space<vmem>>
    %dma_wait3A_182 = tpu.memref_squeeze %dma_wait3A_181 : memref<1x128x128xf32, #tpu.memory_space<vmem>> -> memref<128x128xf32, #tpu.memory_space<vmem>>
    %dma_wait3A_183 = arith.constant 0 : i32
    %dma_wait3A_184 = tpu.memref_slice %arg4[%add3A_176, %dma_wait3A_183] : memref<262144x128xf32, #tpu.memory_space<hbm>> -> memref<128x128xf32, #tpu.memory_space<hbm>>
    %dma_wait3A_185 = tpu.memref_slice %arg10[%dma_wait3A_178] : memref<6x!tpu.dma_semaphore, #tpu.memory_space<semaphore_mem>> -> memref<1x!tpu.dma_semaphore, #tpu.memory_space<semaphore_mem>>
    %dma_wait3A_186 = tpu.memref_squeeze %dma_wait3A_185 : memref<1x!tpu.dma_semaphore, #tpu.memory_space<semaphore_mem>> -> memref<!tpu.dma_semaphore, #tpu.memory_space<semaphore_mem>>
    %dma_wait3A_187 = arith.constant 0 : i32
    %dma_wait3A_188 = tpu.memref_slice %arg4[%add3A_176, %dma_wait3A_187] : memref<262144x128xf32, #tpu.memory_space<hbm>> -> memref<128x128xf32, #tpu.memory_space<hbm>>
    %dma_wait3A_189 = arith.constant 0 : i32
    %dma_wait3A_190 = arith.constant 0 : i32
    %dma_wait3A_191 = tpu.memref_slice %arg8[%dma_wait3A_177, %dma_wait3A_189, %dma_wait3A_190] : memref<6x128x128xf32, #tpu.memory_space<vmem>> -> memref<1x128x128xf32, #tpu.memory_space<vmem>>
    %dma_wait3A_192 = tpu.memref_squeeze %dma_wait3A_191 : memref<1x128x128xf32, #tpu.memory_space<vmem>> -> memref<128x128xf32, #tpu.memory_space<vmem>>
    tpu.wait_dma2 semaphore(%dma_wait3A_186 : memref<!tpu.dma_semaphore, #tpu.memory_space<semaphore_mem>>) src(%dma_wait3A_192 : memref<128x128xf32, #tpu.memory_space<vmem>>) dst(%dma_wait3A_188 : memref<128x128xf32, #tpu.memory_space<hbm>>)
    %add3A_193 = arith.constant 8064 : i32
    %add3A_194 = arith.addi %mul3A_2, %add3A_193 : i32
    %dma_wait3A_195 = arith.constant 3 : i32
    %dma_wait3A_196 = arith.constant 3 : i32
    %dma_wait3A_197 = arith.constant 0 : i32
    %dma_wait3A_198 = arith.constant 0 : i32
    %dma_wait3A_199 = tpu.memref_slice %arg8[%dma_wait3A_195, %dma_wait3A_197, %dma_wait3A_198] : memref<6x128x128xf32, #tpu.memory_space<vmem>> -> memref<1x128x128xf32, #tpu.memory_space<vmem>>
    %dma_wait3A_200 = tpu.memref_squeeze %dma_wait3A_199 : memref<1x128x128xf32, #tpu.memory_space<vmem>> -> memref<128x128xf32, #tpu.memory_space<vmem>>
    %dma_wait3A_201 = arith.constant 0 : i32
    %dma_wait3A_202 = tpu.memref_slice %arg4[%add3A_194, %dma_wait3A_201] : memref<262144x128xf32, #tpu.memory_space<hbm>> -> memref<128x128xf32, #tpu.memory_space<hbm>>
    %dma_wait3A_203 = tpu.memref_slice %arg10[%dma_wait3A_196] : memref<6x!tpu.dma_semaphore, #tpu.memory_space<semaphore_mem>> -> memref<1x!tpu.dma_semaphore, #tpu.memory_space<semaphore_mem>>
    %dma_wait3A_204 = tpu.memref_squeeze %dma_wait3A_203 : memref<1x!tpu.dma_semaphore, #tpu.memory_space<semaphore_mem>> -> memref<!tpu.dma_semaphore, #tpu.memory_space<semaphore_mem>>
    %dma_wait3A_205 = arith.constant 0 : i32
    %dma_wait3A_206 = tpu.memref_slice %arg4[%add3A_194, %dma_wait3A_205] : memref<262144x128xf32, #tpu.memory_space<hbm>> -> memref<128x128xf32, #tpu.memory_space<hbm>>
    %dma_wait3A_207 = arith.constant 0 : i32
    %dma_wait3A_208 = arith.constant 0 : i32
    %dma_wait3A_209 = tpu.memref_slice %arg8[%dma_wait3A_195, %dma_wait3A_207, %dma_wait3A_208] : memref<6x128x128xf32, #tpu.memory_space<vmem>> -> memref<1x128x128xf32, #tpu.memory_space<vmem>>
    %dma_wait3A_210 = tpu.memref_squeeze %dma_wait3A_209 : memref<1x128x128xf32, #tpu.memory_space<vmem>> -> memref<128x128xf32, #tpu.memory_space<vmem>>
    tpu.wait_dma2 semaphore(%dma_wait3A_204 : memref<!tpu.dma_semaphore, #tpu.memory_space<semaphore_mem>>) src(%dma_wait3A_210 : memref<128x128xf32, #tpu.memory_space<vmem>>) dst(%dma_wait3A_206 : memref<128x128xf32, #tpu.memory_space<hbm>>)
    return
  }
}

module attributes {stable_mosaic.version = 14 : i64} {
  func.func @_table_body(%arg0: memref<64x128xf32, #tpu.memory_space<vmem>>, %arg1: memref<1x128xf32, #tpu.memory_space<vmem>>, %arg2: memref<1x128xf32, #tpu.memory_space<vmem>>, %arg3: memref<128x128xf32, #tpu.memory_space<vmem>>, %arg4: memref<64x128xf32, #tpu.memory_space<vmem>>) attributes {dimension_semantics = [], scalar_prefetch = 0 : i64, scratch_operands = 0 : i64, tpu.core_type = #tpu.core_type<tc>} {
    %get3A = arith.constant 0 : index
    %get3A_0 = arith.constant 0 : index
    %get3A_1 = vector.load %arg0[%get3A, %get3A_0] : memref<64x128xf32, #tpu.memory_space<vmem>>, vector<64x128xf32>
    %reduce_sum3A = arith.constant dense<0.000000e+00> : vector<64xf32>
    %reduce_sum3A_2 = vector.multi_reduction <add>, %get3A_1, %reduce_sum3A [1] : vector<64x128xf32> to vector<64xf32>
    %broadcast_in_dim3A = vector.shape_cast %reduce_sum3A_2 : vector<64xf32> to vector<64x1xf32>
    %div3A = arith.constant 1.280000e+02 : f32
    %div3A_3 = vector.broadcast %div3A : f32 to vector<64x1xf32>
    %div3A_4 = arith.divf %broadcast_in_dim3A, %div3A_3 : vector<64x1xf32>
    %sub3A = vector.broadcast %div3A_4 : vector<64x1xf32> to vector<64x128xf32>
    %sub3A_5 = arith.subf %get3A_1, %sub3A : vector<64x128xf32>
    %integer_pow3A = arith.mulf %sub3A_5, %sub3A_5 : vector<64x128xf32>
    %reduce_sum3A_6 = arith.constant dense<0.000000e+00> : vector<64xf32>
    %reduce_sum3A_7 = vector.multi_reduction <add>, %integer_pow3A, %reduce_sum3A_6 [1] : vector<64x128xf32> to vector<64xf32>
    %broadcast_in_dim3A_8 = vector.shape_cast %reduce_sum3A_7 : vector<64xf32> to vector<64x1xf32>
    %div3A_9 = arith.constant 1.280000e+02 : f32
    %div3A_10 = vector.broadcast %div3A_9 : f32 to vector<64x1xf32>
    %div3A_11 = arith.divf %broadcast_in_dim3A_8, %div3A_10 : vector<64x1xf32>
    %sub3A_12 = vector.broadcast %div3A_4 : vector<64x1xf32> to vector<64x128xf32>
    %sub3A_13 = arith.subf %get3A_1, %sub3A_12 : vector<64x128xf32>
    %add3A = arith.constant 9.99999974E-6 : f32
    %add3A_14 = vector.broadcast %add3A : f32 to vector<64x1xf32>
    %add3A_15 = arith.addf %div3A_11, %add3A_14 : vector<64x1xf32>
    %sqrt3A = math.sqrt %add3A_15 : vector<64x1xf32>
    %div3A_16 = vector.broadcast %sqrt3A : vector<64x1xf32> to vector<64x128xf32>
    %div3A_17 = arith.divf %sub3A_13, %div3A_16 : vector<64x128xf32>
    %get3A_18 = arith.constant 0 : index
    %get3A_19 = arith.constant 0 : index
    %get3A_20 = vector.load %arg1[%get3A_18, %get3A_19] : memref<1x128xf32, #tpu.memory_space<vmem>>, vector<1x128xf32>
    %mul3A = vector.broadcast %get3A_20 : vector<1x128xf32> to vector<64x128xf32>
    %mul3A_21 = arith.mulf %div3A_17, %mul3A : vector<64x128xf32>
    %get3A_22 = arith.constant 0 : index
    %get3A_23 = arith.constant 0 : index
    %get3A_24 = vector.load %arg2[%get3A_22, %get3A_23] : memref<1x128xf32, #tpu.memory_space<vmem>>, vector<1x128xf32>
    %add3A_25 = vector.broadcast %get3A_24 : vector<1x128xf32> to vector<64x128xf32>
    %add3A_26 = arith.addf %mul3A_21, %add3A_25 : vector<64x128xf32>
    %get3A_27 = arith.constant 0 : index
    %get3A_28 = arith.constant 0 : index
    %get3A_29 = vector.load %arg3[%get3A_27, %get3A_28] : memref<128x128xf32, #tpu.memory_space<vmem>>, vector<128x128xf32>
    %dot_general3A = arith.constant dense<0.000000e+00> : vector<64x128xf32>
    %dot_general3A_30 = tpu.matmul %add3A_26, %get3A_29, %dot_general3A {dimension_numbers = #tpu.dot_dimension_numbers<[1], [1], [0], [0], [0, 0, 1, 0], [], []>, transpose_lhs_hint = false} : vector<64x128xf32>, vector<128x128xf32>, vector<64x128xf32> -> vector<64x128xf32>
    %swap3A = arith.constant 0 : index
    %swap3A_31 = arith.constant 0 : index
    %swap3A_32 = vector.load %arg4[%swap3A, %swap3A_31] : memref<64x128xf32, #tpu.memory_space<vmem>>, vector<64x128xf32>
    tpu.vector_store %arg4[%swap3A, %swap3A_31], %dot_general3A_30 {strides = array<i32>} : memref<64x128xf32, #tpu.memory_space<vmem>>, vector<64x128xf32>,
    return
  }
}

</mosaic_0001>

<sc_bundles>
// kernel: kernel.4.cloned.1.call-start
scs
__scs_entry_jumppad:
0x0: {  	(pc) =	sbr.rel $0x88, $3  }
0x1: {  	(tag) =	ssettag $0x0;
	lr =	simm.s32 $0x1  }
0x2: {  	[smem:$0x3F9C] =	sst lr;
	_ =	strace $0xD0000000  }
0x3: {  	_ = 	snop  }
0x4: {  	_ = 	snop  }
0x5: {  	_ = 	snop  }
0x6: {  	_ = 	snop  }
0x7: {  	_ = 	snop  }
__scs_overlays_trampoline_lowered:
0x8: {  	[smem:$0x3FAB] =	sst s0  }
0x9: {  	[smem:$0x3FAC] =	sst s1  }
0xa: {  	[smem:$0x3FAD] =	sst s2  }
0xb: {  	[smem:$0x3FAE] =	sst s3  }
0xc: {  	[smem:$0x3FAF] =	sst s4  }
0xd: {  	[smem:$0x3FB0] =	sst s5  }
0xe: {  	[smem:$0x3FB1] =	sst s6  }
0xf: {  	[smem:$0x3FB2] =	sst s7  }
0x10: {  	[smem:$0x3FB3] =	sst s8  }
0x11: {  	[smem:$0x3FB4] =	sst s9;
	s0 =	simm.s32 @!p0 $0x0  }
0x12: {  	s1 =	sld [smem:$0x3F9A];
	s0 =	simm.s32 @p0 $0x1  }
0x13: {  	[smem:$0x3FB5] =	sst s0;
	s0 =	simm.s32 @!p1 $0x0  }
0x14: {  	s2 =	sld [smem:$0x3F99];
	s0 =	simm.s32 @p1 $0x1  }
0x15: {  	[smem:$0x3FB6] =	sst s0;
	s0 =	simm.s32 @!p2 $0x0  }
0x16: {  	s3 =	sld [smem:$0x3FDB];
	s0 =	simm.s32 @p2 $0x1  }
0x17: {  	s4 =	simm.s32 $0x1BF5;
	[smem:$0x3FB8] =	sst s0  }
0x18: {  	s0 =	sld [smem:$0x3F9B];
	_ =	swait.ge [sflag:s4], $0x0  }
0x19: {  	s7 =	sld [smem:$0x3F9C]  }
0x1a: {  	s8 =	sadd.s32 $0xFFFFE003, lr  }
0x1b: {  	s9 =	sadd.s32 $0xFFFFFEF7, lr;
	s5 =	simm.s32 $0xFFFFFFFF;
	p2 =	slt.u32 s8, $0xFFFFF086  }
0x1c: {  	p1 =	slt.u32 s9, $0xF7A;
	s5 =	simm.s32 @!p2 $0x0  }
0x1d: {  	s5 =	simm.s32 @p1 $0x1;
	p0 =	seq.s32 s7, s2  }
0x1e: {  	s7 =	smul.u32 @!p0 $0xF7A, s2;
	p2 =	seq.s32 @!p0 s5, $0x0  }
0x1f: {  	s9 =	smul.u32 $0xF7A, s1;
	s8 =	simm.s32 @!p0 $0x1BF5;
	p2 =	por !p2, p0  }
0x20: {  	[sflag:s8] =	ssyncset.s32 @!p0 $0xFFFFF086;
	s6 =	sadd.s32 @!p0 s3, s7;
	s7 =	simm.s32 @!p0 $0x108  }
0x21: {  	s3 =	sadd.s32 s3, s9;
	s6 =	sadd.s32 @!p0 $0x88, s6;
	s7 =	simm.s32 @p2 $0x1082  }
0x22: {  	[simem:s7], [sflag:s8] =	dma.local @!p0 [hbm:s6], $0xF7A  }
0x23: {  	s9 =	sor.u32 $0xD0000000, s2;
	s6 =	simm.s32 $0x108;
	_ =	swait.ge @!p0 [sflag:s8], $0x0  }
0x24: {  	s3 =	sadd.s32 $0x88, s3;
	s6 =	simm.s32 @!p1 $0x1082;
	[sflag:s4] =	ssyncset.s32 $0xFFFFF086  }
0x25: {  	[simem:s6], [sflag:s4] =	dma.local [hbm:s3], $0xF7A  }
0x26: {  	[smem:$0x3F9C] =	sst s1;
	(tag) =	ssettag s2;
	_ =	strace s9  }
0x27: {  	s1 =	sld [smem:$0x3FAC]  }
0x28: {  	s2 =	sld [smem:$0x3FAD]  }
0x29: {  	s4 =	sld [smem:$0x3FAF]  }
0x2a: {  	p0 =	seq.s32 s5, $0x0;
	s5 =	sld [smem:$0x3FB0]  }
0x2b: {  	s6 =	sld [smem:$0x3FB1]  }
0x2c: {  	s7 =	sld [smem:$0x3FB2]  }
0x2d: {  	s3 =	simm.s32 $0x108;
	s8 =	sld [smem:$0x3FB3]  }
0x2e: {  	s3 =	simm.s32 @!p0 $0x1082;
	s9 =	sld [smem:$0x3FB4]  }
0x2f: {  	lr =	sadd.s32 s0, s3;
	s0 =	sld [smem:$0x3FAB]  }
0x30: {  	s3 =	sld [smem:$0x3FAE]  }
0x31: {  	[smem:$0x3FB7] =	sst s10  }
0x32: {  	s10 =	sld [smem:$0x3FB5];
	_ =	sdelay $0x3  }
0x33: {  	p0 =	seq.s32 s10, $0x1;
	s10 =	sld [smem:$0x3FB7];
	_ =	sdelay $0x3  }
0x34: {  	[smem:$0x3FB7] =	sst s10  }
0x35: {  	s10 =	sld [smem:$0x3FB6];
	_ =	sdelay $0x3  }
0x36: {  	p1 =	seq.s32 s10, $0x1;
	s10 =	sld [smem:$0x3FB7];
	_ =	sdelay $0x3  }
0x37: {  	[smem:$0x3FB7] =	sst s10  }
0x38: {  	s10 =	sld [smem:$0x3FB8]  }
0x39: {  	_ = 	snop;
	(pc) =	sbr.ind lr, $3  }
0x3a: {  	_ = 	snop  }
0x3b: {  	_ = 	snop  }
0x3c: {  	p2 =	seq.s32 s10, $0x1;
	s10 =	sld [smem:$0x3FB7]  }
0x3d: {  	_ =	shalt  }
0x3e: {  	_ =	shalt  }
0x3f: {  	_ =	shalt  }
0x40: {  	_ =	shalt  }
0x41: {  	_ =	shalt  }
0x42: {  	_ =	shalt  }
0x43: {  	_ =	shalt  }
0x44: {  	_ =	shalt  }
0x45: {  	_ =	shalt  }
0x46: {  	_ =	shalt  }
0x47: {  	_ =	shalt  }
0x48: {  	_ =	shalt  }
0x49: {  	_ =	shalt  }
0x4a: {  	_ =	shalt  }
0x4b: {  	_ =	shalt  }
0x4c: {  	_ =	shalt  }
0x4d: {  	_ =	shalt  }
0x4e: {  	_ =	shalt  }
0x4f: {  	_ =	shalt  }
0x50: {  	_ =	shalt  }
0x51: {  	_ =	shalt  }
0x52: {  	_ =	shalt  }
0x53: {  	_ =	shalt  }
0x54: {  	_ =	shalt  }
0x55: {  	_ =	shalt  }
0x56: {  	_ =	shalt  }
0x57: {  	_ =	shalt  }
0x58: {  	_ =	shalt  }
0x59: {  	_ =	shalt  }
0x5a: {  	_ =	shalt  }
0x5b: {  	_ =	shalt  }
0x5c: {  	_ =	shalt  }
0x5d: {  	_ =	shalt  }
0x5e: {  	_ =	shalt  }
0x5f: {  	_ =	shalt  }
0x60: {  	_ =	shalt  }
0x61: {  	_ =	shalt  }
0x62: {  	_ =	shalt  }
0x63: {  	_ =	shalt  }
0x64: {  	_ =	shalt  }
0x65: {  	_ =	shalt  }
0x66: {  	_ =	shalt  }
0x67: {  	_ =	shalt  }
0x68: {  	_ =	shalt  }
0x69: {  	_ =	shalt  }
0x6a: {  	_ =	shalt  }
0x6b: {  	_ =	shalt  }
0x6c: {  	_ =	shalt  }
0x6d: {  	_ =	shalt  }
0x6e: {  	_ =	shalt  }
0x6f: {  	_ =	shalt  }
0x70: {  	_ =	shalt  }
0x71: {  	_ =	shalt  }
0x72: {  	_ =	shalt  }
0x73: {  	_ =	shalt  }
0x74: {  	_ =	shalt  }
0x75: {  	_ =	shalt  }
0x76: {  	_ =	shalt  }
0x77: {  	_ =	shalt  }
0x78: {  	_ =	shalt  }
0x79: {  	_ =	shalt  }
0x7a: {  	_ =	shalt  }
0x7b: {  	_ =	shalt  }
0x7c: {  	_ =	shalt  }
0x7d: {  	_ =	shalt  }
0x7e: {  	_ =	shalt  }
0x7f: {  	_ =	shalt  }
0x80: {  	_ =	shalt  }
0x81: {  	_ =	shalt  }
0x82: {  	_ =	shalt  }
0x83: {  	_ =	shalt  }
0x84: {  	_ =	shalt  }
0x85: {  	_ =	shalt  }
0x86: {  	_ =	shalt  }
0x87: {  	_ =	shalt  }
.Lfunc_end0:
.L_simem_size_0:
called_computation_lowered:
.L_overlay_start_0:
0x88: {  	s2 =	sld [smem:$0x3FD9]  }
0x89: {  	s3 =	sld [smem:$0x3FFE];
	_ =	sdelay $0x1  }
0x8a: {  	s1 =	srdreg.scid  }
0x8b: {  	s0 =	sand.u32 $0x1, s1  }
0x8c: {  	s17 =	sshll.u32 s0, $0xA;
	s2 =	sadd.s32 s3, s2  }
0x8d: {  	s2 =	sadd.s32 s2, s17  }
0x8e: {  	[smem:$0x3FC3] =	sst s2  }
0x8f: {  	_ = 	snop  }
0x90: {  	s2 =	sld [smem:$0x3FD0];
	(tm) =	ssettm $0x1  }
0x91: {  	s18 =	sld [smem:$0x3FFB];
	_ =	sdelay $0x3  }
0x92: {  	_ =	strace s18  }
0x93: {  	s3 =	sld [smem:$0x3FFC];
	_ =	sdelay $0x3  }
0x94: {  	_ =	strace s3  }
0x95: {  	s3 =	sld [smem:$0x3FFD];
	_ =	sdelay $0x3  }
0x96: {  	_ =	strace s3  }
0x97: {  	_ =	strace $0x8FFFFFFF  }
0x98: {  	s19 =	sld [smem:$0x3FDB];
	_ =	sdelay $0x1  }
0x99: {  	s4 =	simm.s32 $_scs_section_size  }
0x9a: {  	s5 =	simm.s32 $_size__tile_overlayer_lowered;
	s6 =	simm.s32 $_tile_overlayer_lowered  }
0x9b: {  	s22 =	simm.s32 $0x1BFF;
	s21 =	sshll.u32 s6, $0x1;
	s3 =	sadd.s32 s4, s19  }
0x9c: {  	s7 =	simm.s32 $0x0;
	s20 =	sshll.u32 s5, $0x1;
	s5 =	sadd.s32 s21, s3  }
0x9d: {  	[timem:s7], [sflag:s22] =	dma.local [hbm:s5], s20  }
0x9e: {  	_ =	swait.ge [sflag:s22], s20  }
0x9f: {  	s4 =	ssub.s32 $0x0, s20;
	[sflag:s22] =	ssyncset.done $0x0  }
0xa0: {  	[sflag:s22] =	ssyncadd.s32 s4;
	_ =	sdelay $0x1  }
0xa1: {  	s23 =	simm.s32 $0x1B8B  }
0xa2: {  	_ =	swait.ge [sflag:s23], $0x1  }
0xa3: {  	[sflag:s23] =	ssyncset.done $0x0  }
0xa4: {  	s25 =	simm.s32 $0x1B8E;
	s24 =	sld [smem:$0x3FFE];
	[sflag:s23] =	ssyncadd.s32 $0xFFFFFFFF  }
0xa5: {  	s26 =	simm.s32 $execute0_lowered;
	[smem:$0x3FD2] =	sst s25  }
0xa6: {  	s5 =	sshll.u32 s26, $0x1;
	_ =	strace $0x80000046;
	[dreg:$0x1] =	wrdreg $0xFFFFFFFF  }
0xa7: {  	s28 =	simm.s32 $_size_execute0_lowered;
	s3 =	sadd.s32 s3, s5;
	[dreg:$0x0] =	wrdreg $0x0  }
0xa8: {  	s5 =	sshll.u32 s28, $0x1;
	[dreg:$0x2] =	wrdreg s3  }
0xa9: {  	[dreg:$0x3] =	wrdreg s5  }
0xaa: {  	[dreg:$0x4] =	wrdreg $0xC0  }
0xab: {  	_ =	task [dreg:s7], $0x5FFFF  }
0xac: {  	[dreg:$0x1] =	wrdreg $0xFFFFFFFF  }
0xad: {  	[dreg:$0x0] =	wrdreg $0x60  }
0xae: {  	[dreg:$0x2] =	wrdreg s24  }
0xaf: {  	[dreg:$0x3] =	wrdreg s2  }
0xb0: {  	[dreg:$0x4] =	wrdreg $0x40000  }
0xb1: {  	[dreg:$0x5] =	wrdreg $0x9  }
0xb2: {  	_ =	task.clear_ibuf [dreg:s7], $0x6FFFF;
	_ =	strace $0x90000046  }
0xb3: {  	s29 =	simm.s32 $0x9;
	_ =	strace $0x80000048  }
0xb4: {  	_ =	swait.ge [sflag:s29], $0x1  }
0xb5: {  	[sflag:s29] =	ssyncadd.s32 $0xFFFFFFFF  }
0xb6: {  	_ =	strace $0x90000048  }
0xb7: {  	_ =	sfence  }
0xb8: {  	s30 =	sld [smem:$0x0];
	_ =	sdelay $0x2  }
0xb9: {  	s31 =	sshll.u32 s1, $0xD;
	s1 =	sshrl.u32 s1, $0x2  }
0xba: {  	s3 =	sand.u32 $0x4000, s31;
	s1 =	sadd.s32 s1, s30  }
0xbb: {  	s0 =	sor.u32 s3, s0;
	s1 =	sshll.u32 s1, $0x11  }
0xbc: {  	s0 =	sor.u32 s1, s0  }
0xbd: {  	s0 =	sadd.s32 $0x8F2B, s0  }
0xbe: {  	[sflag:s0] =	ssyncadd.remote.s32 $0x1  }
0xbf: {  	_ =	sfence.sel $0xFFFF  }
0xc0: {  	[dreg:$0x0] =	wrdreg $0xFFFFFFFF;
	(pc) =	sbr.abs _section_cstart, $3  }
0xc1: {  	[dreg:$0x1] =	wrdreg $0xFFFFFFFF  }
0xc2: {  	_ =	task.clear_ibuf [dreg:s7], $0x2FFFF;
	_ =	strace $0x9FFFFFFF  }
0xc3: {  	(tm) =	ssettm $0x7FFFFFFF  }
tec
execute0_lowered:
.L_overlay_start_1:
0x0: {  	(tag) =	ssettag $0x1  }
0x1: {  	s0 =	rddreg [dreg:$0x0]  }
0x2: {  	s5 =	rddreg [dreg:$0x1]  }
0x3: {  	s1 =	rddreg [dreg:$0x2]  }
0x4: {  	s2 =	srdreg.scid;
	s6 =	stileid.u32;
	s17 =	simm.s32 $0x10200  }
0x5: {  	s18 =	simm.s32 $0x2200;
	s19 =	simm.s32 $0x14200;
	s20 =	simm.s32 $0x2280  }
0x6: {  	s21 =	simm.s32 $0x18200;
	s22 =	simm.s32 $0xB;
	s23 =	simm.s32 $0xC  }
0x7: {  	s24 =	simm.s32 $0x7;
	s25 =	simm.s32 $0x8;
	s28 =	simm.s32 $0xA  }
0x8: {  	s29 =	simm.s32 $0x0;
	s3 =	sand.u32 $0x1, s2;
	s2 =	simm.s32 $0x0  }
0x9: {  	s4 =	sshll.u32 s6, $0xE;
	p0 =	sne.s32 s6, $0x0;
	s7 =	sshll.u32 s3, $0xD  }
0xa: {  	[smem:$0x7FF] =	sst s2;
	s26 =	ssub.s32 $0x2, s3;
	s3 =	sadd.s32 $0x8E00, s0  }
.Ltmp0:
0xb: {  	s7 =	sor.u32 s7, s4;
	s8 =	sshrl.u32 s26, $0x1;
	(pc) =	sbr.rel .LBB2_1-.Ltmp0, $4  }
0xc: {  	_ =	strace $0x80000047;
	s30 =	sshrl.u32 s7, $0x3;
	s31 =	ssub.s32 s26, s8  }
0xd: {  	s7 =	sshll.u32 s7, $0x4;
	s8 =	simm.s32 $0xD;
	s26 =	simm.s32 $0x9  }
0xe: {  	s9 =	sadd.s32 s30, s0;
	s5 =	sadd.s32 s5, s7;
	s6 =	smax.u32 s31, $0x1  }
0xf: {  	v0 =	vimm.s32 $0x1;
	s7 =	sshrl.u32 @!p0 s1, $0x3;
	s4 =	sadd.s32 $0xE00, s9;
	s9 =	simm.s32 $0x80  }
.LBB2_19:
0x10: {  	_ =	swait.ge [sflag:s22], $0x4000  }
0x11: {  	[sflag:s22] =	ssyncset.done $0x0  }
0x12: {  	[sflag:s22] =	ssyncadd.s32 $0xFFFFC000  }
0x13: {  	_ =	swait.ge [sflag:s23], $0x4000  }
0x14: {  	[sflag:s23] =	ssyncset.done $0x0  }
0x15: {  	[sflag:s23] =	ssyncadd.s32 $0xFFFFC000  }
0x16: {  	_ =	swait.ge [sflag:s24], $0x4000  }
0x17: {  	[sflag:s24] =	ssyncset.done $0x0  }
0x18: {  	[sflag:s24] =	ssyncadd.s32 $0xFFFFC000  }
0x19: {  	_ =	swait.ge [sflag:s25], $0x4000  }
0x1a: {  	[sflag:s25] =	ssyncset.done $0x0  }
0x1b: {  	s29 =	sadd.s32 $0x1, s29;
	[sflag:s25] =	ssyncadd.s32 $0xFFFFC000  }
0x1c: {  	p1 =	sne.s32 s29, s6;
	_ =	swait.ge [sflag:s26], $0x4000  }
.Ltmp1:
0x1d: {  	[sflag:s26] =	ssyncset.done $0x0;
	(pc) =	sbr.rel @!p1 .LBB2_20-.Ltmp1, $4  }
0x1e: {  	[sflag:s26] =	ssyncadd.s32 $0xFFFFC000  }
0x1f: {  	_ =	swait.ge [sflag:s28], $0x4000  }
0x20: {  	[sflag:s28] =	ssyncset.done $0x0  }
0x21: {  	[sflag:s28] =	ssyncadd.s32 $0xFFFFC000  }
.LBB2_1:
0x22: {  	s0 =	simm.s32 @!p0 $0x1C0D  }
0x23: {  	[spmem:s7], [sflag:s0] =	dma.local @!p0 [hbm:s3], $0x400  }
0x24: {  	s0 =	simm.s32 @!p0 $0xD  }
0x25: {  	_ =	swait.ge @!p0 [sflag:s0], $0x400  }
0x26: {  	[sflag:s0] =	ssyncset.done @!p0 $0x0  }
0x27: {  	[sflag:s0] =	ssyncadd.s32 @!p0 $0xFFFFFC00  }
0x28: {  	[tilespmem:s2], [sflag:$0xD] =	stream.linear.gather [hbm4b:s4+s2], $0x2000, $0x38;
	[tilespmem:$0x1C200] =	vst v63  }
0x29: {  	_ =	swait.ge [sflag:s8], $0x2000  }
0x2a: {  	[sflag:s8] =	ssyncset.done $0x0  }
0x2b: {  	s10 =	simm.s32 $0x0;
	[sflag:s8] =	ssyncadd.s32 $0xFFFFE000  }
0x2c: {  	v1 =	vld [tilespmem:s10+$0x0];
	_ =	sdelay $0x4  }
0x2d: {  	s0 =	simm.s32 $0x10;
	v1 =	vmax.f32 v1, $0.0e+00  }
0x2e: {  	v2 =	vmin.f32 v1, $5.000000000e+01;
	v1 =	vld [tilespmem:s0+$0x0]  }
0x2f: {  	v3 =	vmul.f32 $1.279999970e+00, v2;
	_ =	sdelay $0x1  }
0x30: {  	v3 =	vtrunc.f32 v3  }
0x31: {  	v3 =	vcvt.f32.s32 v3  }
0x32: {  	s30 =	simm.s32 $0x20;
	v1 =	vmax.f32 v1, $0.0e+00  }
0x33: {  	v6 =	vld [tilespmem:s30+$0x0];
	v1 =	vmin.f32 v1, $5.000000000e+01;
	vm0 =	vgt.s32 v3, $0x0  }
0x34: {  	v4 =	vmul.f32 $1.279999970e+00, v1;
	v3 =	vnsel vm0, $0x0, v3  }
0x35: {  	v5 =	vmin.u32 v3, $0x3F  }
0x36: {  	v3 =	vtrunc.f32 v4;
	v4 =	vadd.s32 $0x1, v5  }
0x37: {  	v7 =	vcvt.f32.s32 v3;
	v8 =	vcvt.s32.f32 v4  }
0x38: {  	v3 =	vmax.f32 v6, $0.0e+00;
	v6 =	vcvt.s32.f32 v5  }
0x39: {  	s11 =	simm.s32 $0x30;
	v3 =	vmin.f32 v3, $5.000000000e+01;
	vm0 =	vgt.s32 v7, $0x0;
	v10 =	vmul.f32 $7.812500000e-01, v8  }
0x3a: {  	v9 =	vmul.f32 $1.279999970e+00, v3;
	v8 =	vmul.f32 $7.812500000e-01, v6;
	v11 =	vnsel vm0, $0x0, v7;
	v7 =	vld [tilespmem:s11+$0x0]  }
0x3b: {  	s12 =	simm.s32 $0x100;
	v6 =	vmin.u32 v11, $0x3F;
	vm0 =	vgt.f32 v2, v10;
	v10 =	vmax.u32 v5, $0x1  }
.LBB2_2:
0x3c: {  	p1 =	sne.s32 s12, $0x1C0;
	vm1 =	vle.f32 v2, v8;
	v11 =	vsel vm0, v4, v5;
	v8 =	vsub.s32 v10, v0;
	v2 =	vmovc v1  }
0x3d: {  	v9 =	vtrunc.f32 v9;
	v4 =	vadd.s32 $0x1, v6;
	v1 =	vmovc v3;
	v5 =	vmovc v6;
	v8 =	vsel vm1, v8, v11  }
.Ltmp2:
0x3e: {  	v6 =	vcvt.f32.s32 v9;
	v9 =	vcvt.s32.f32 v4;
	v3 =	vmin.u32 v8, $0x3F;
	(pc) =	sbr.rel @p1 .LBB2_2-.Ltmp2, $4  }
0x3f: {  	v8 =	vcvt.s32.f32 v5;
	v7 =	vmax.f32 v7, $0.0e+00;
	[tilespmem:s10+$0x2000] =	vst v3;
	s10 =	smov.u32 s0;
	s0 =	smov.u32 s30  }
0x40: {  	vm0 =	vgt.s32 v6, $0x0;
	v10 =	vmul.f32 $7.812500000e-01, v9;
	s30 =	smov.u32 s11;
	s11 =	sshra.s32 s12, $0x2;
	v3 =	vmin.f32 v7, $5.000000000e+01  }
0x41: {  	v6 =	vnsel vm0, $0x0, v6;
	v8 =	vmul.f32 $7.812500000e-01, v8;
	v7 =	vld [tilespmem:s11+$0x0];
	v9 =	vmul.f32 $1.279999970e+00, v3  }
0x42: {  	s12 =	sadd.s32 $0x40, s12;
	v6 =	vmin.u32 v6, $0x3F;
	vm0 =	vgt.f32 v2, v10;
	v10 =	vmax.u32 v5, $0x1  }
0x43: {  	_ =	sdelay $0x1  }
0x44: {  	v9 =	vtrunc.f32 v9;
	v4 =	vsel vm0, v4, v5  }
0x45: {  	v5 =	vadd.s32 $0x1, v6;
	v9 =	vcvt.f32.s32 v9;
	v7 =	vmax.f32 v7, $0.0e+00  }
0x46: {  	vm1 =	vle.f32 v2, v8;
	v8 =	vcvt.s32.f32 v6;
	v7 =	vmin.f32 v7, $5.000000000e+01  }
0x47: {  	v11 =	vcvt.s32.f32 v5;
	vm0 =	vgt.s32 v9, $0x0;
	v12 =	vmul.f32 $1.279999970e+00, v7  }
0x48: {  	v8 =	vmul.f32 $7.812500000e-01, v8;
	v2 =	vnsel vm0, $0x0, v9  }
0x49: {  	v9 =	vsub.s32 v10, v0;
	v10 =	vmul.f32 $7.812500000e-01, v11;
	v11 =	vtrunc.f32 v12  }
0x4a: {  	v4 =	vsel vm1, v9, v4;
	v2 =	vmin.u32 v2, $0x3F;
	v9 =	vcvt.f32.s32 v11  }
0x4b: {  	vm1 =	vle.f32 v1, v8;
	vm0 =	vgt.f32 v1, v10;
	v10 =	vadd.s32 $0x1, v2  }
0x4c: {  	v1 =	vcvt.s32.f32 v2;
	v5 =	vsel vm0, v5, v6;
	vm0 =	vgt.s32 v9, $0x0  }
0x4d: {  	v6 =	vmax.u32 v6, $0x1;
	v11 =	vcvt.s32.f32 v10;
	v8 =	vnsel vm0, $0x0, v9  }
0x4e: {  	v6 =	vsub.s32 v6, v0;
	v8 =	vmin.u32 v8, $0x3F  }
0x4f: {  	v1 =	vmul.f32 $7.812500000e-01, v1;
	v9 =	vmul.f32 $7.812500000e-01, v11;
	v11 =	vadd.s32 $0x1, v8  }
0x50: {  	v4 =	vmin.u32 v4, $0x3F;
	v5 =	vsel vm1, v6, v5;
	v6 =	vcvt.s32.f32 v11  }
0x51: {  	vm1 =	vle.f32 v3, v1;
	vm0 =	vgt.f32 v3, v9;
	v1 =	vcvt.s32.f32 v8  }
0x52: {  	v3 =	vsel vm0, v10, v2;
	v2 =	vmax.u32 v2, $0x1;
	v6 =	vmul.f32 $7.812500000e-01, v6  }
0x53: {  	v5 =	vmin.u32 v5, $0x3F;
	v2 =	vsub.s32 v2, v0;
	v1 =	vmul.f32 $7.812500000e-01, v1  }
0x54: {  	v2 =	vsel vm1, v2, v3;
	v3 =	vmax.u32 v8, $0x1;
	vm0 =	vgt.f32 v7, v6  }
0x55: {  	[tilespmem:s10+$0x2000] =	vst v4;
	vm1 =	vle.f32 v7, v1;
	v3 =	vsub.s32 v3, v0;
	v1 =	vsel vm0, v11, v8  }
0x56: {  	[tilespmem:s0+$0x2000] =	vst v5;
	v2 =	vmin.u32 v2, $0x3F;
	v1 =	vsel vm1, v3, v1  }
0x57: {  	[tilespmem:s30+$0x2000] =	vst v2;
	v1 =	vmin.u32 v1, $0x3F  }
0x58: {  	s31 =	simm.s32 $0x0;
	[tilespmem:s11+$0x2000] =	vst v1  }
0x59: {  	v1 =	vld [tilespmem:s31+$0x80];
	_ =	sdelay $0x4  }
0x5a: {  	s30 =	simm.s32 $0x10;
	v1 =	vmax.f32 v1, $0.0e+00  }
0x5b: {  	v2 =	vmin.f32 v1, $5.000000000e+01;
	v1 =	vld [tilespmem:s30+$0x80]  }
0x5c: {  	v3 =	vmul.f32 $1.279999970e+00, v2;
	_ =	sdelay $0x1  }
0x5d: {  	v3 =	vtrunc.f32 v3  }
0x5e: {  	v3 =	vcvt.f32.s32 v3  }
0x5f: {  	s0 =	simm.s32 $0x20;
	v1 =	vmax.f32 v1, $0.0e+00  }
0x60: {  	v6 =	vld [tilespmem:s0+$0x80];
	v1 =	vmin.f32 v1, $5.000000000e+01;
	vm0 =	vgt.s32 v3, $0x0  }
0x61: {  	v4 =	vmul.f32 $1.279999970e+00, v1;
	v3 =	vnsel vm0, $0x0, v3  }
0x62: {  	v5 =	vmin.u32 v3, $0x3F  }
0x63: {  	v3 =	vtrunc.f32 v4;
	v4 =	vadd.s32 $0x1, v5  }
0x64: {  	v7 =	vcvt.f32.s32 v3;
	v8 =	vcvt.s32.f32 v4  }
0x65: {  	v3 =	vmax.f32 v6, $0.0e+00;
	v6 =	vcvt.s32.f32 v5  }
0x66: {  	s10 =	simm.s32 $0x30;
	v3 =	vmin.f32 v3, $5.000000000e+01;
	vm0 =	vgt.s32 v7, $0x0;
	v10 =	vmul.f32 $7.812500000e-01, v8  }
0x67: {  	s14 =	simm.s32 $0x100;
	v9 =	vmul.f32 $1.279999970e+00, v3;
	v8 =	vmul.f32 $7.812500000e-01, v6;
	v11 =	vnsel vm0, $0x0, v7;
	v7 =	vld [tilespmem:s10+$0x80]  }
0x68: {  	s13 =	simm.s32 $0x0;
	s12 =	simm.s32 $0x10;
	s11 =	simm.s32 $0x20;
	v6 =	vmin.u32 v11, $0x3F;
	vm0 =	vgt.f32 v2, v10;
	v10 =	vmax.u32 v5, $0x1  }
.LBB2_4:
0x69: {  	p1 =	sne.s32 s14, $0x1C0;
	vm1 =	vle.f32 v2, v8;
	v11 =	vsel vm0, v4, v5;
	v8 =	vsub.s32 v10, v0;
	v2 =	vmovc v1  }
0x6a: {  	v9 =	vtrunc.f32 v9;
	v4 =	vadd.s32 $0x1, v6;
	v1 =	vmovc v3;
	v5 =	vmovc v6;
	v8 =	vsel vm1, v8, v11  }
.Ltmp3:
0x6b: {  	v6 =	vcvt.f32.s32 v9;
	v9 =	vcvt.s32.f32 v4;
	v3 =	vmin.u32 v8, $0x3F;
	(pc) =	sbr.rel @p1 .LBB2_4-.Ltmp3, $4  }
0x6c: {  	v8 =	vcvt.s32.f32 v5;
	v7 =	vmax.f32 v7, $0.0e+00;
	[tilespmem:s13+$0x2080] =	vst v3;
	s13 =	smov.u32 s12;
	s12 =	smov.u32 s11;
	s11 =	smov.u32 s10  }
0x6d: {  	s10 =	sshra.s32 s14, $0x2;
	vm0 =	vgt.s32 v6, $0x0;
	v10 =	vmul.f32 $7.812500000e-01, v9;
	v3 =	vmin.f32 v7, $5.000000000e+01  }
0x6e: {  	v6 =	vnsel vm0, $0x0, v6;
	v8 =	vmul.f32 $7.812500000e-01, v8;
	v7 =	vld [tilespmem:s10+$0x80];
	v9 =	vmul.f32 $1.279999970e+00, v3  }
0x6f: {  	s14 =	sadd.s32 $0x40, s14;
	v6 =	vmin.u32 v6, $0x3F;
	vm0 =	vgt.f32 v2, v10;
	v10 =	vmax.u32 v5, $0x1  }
0x70: {  	_ =	sdelay $0x1  }
0x71: {  	v9 =	vtrunc.f32 v9;
	v4 =	vsel vm0, v4, v5  }
0x72: {  	v5 =	vadd.s32 $0x1, v6;
	v9 =	vcvt.f32.s32 v9;
	v7 =	vmax.f32 v7, $0.0e+00  }
0x73: {  	vm1 =	vle.f32 v2, v8;
	v8 =	vcvt.s32.f32 v6;
	v7 =	vmin.f32 v7, $5.000000000e+01  }
0x74: {  	v11 =	vcvt.s32.f32 v5;
	vm0 =	vgt.s32 v9, $0x0;
	v12 =	vmul.f32 $1.279999970e+00, v7  }
0x75: {  	v8 =	vmul.f32 $7.812500000e-01, v8;
	v2 =	vnsel vm0, $0x0, v9  }
0x76: {  	v9 =	vsub.s32 v10, v0;
	v10 =	vmul.f32 $7.812500000e-01, v11;
	v11 =	vtrunc.f32 v12  }
0x77: {  	v4 =	vsel vm1, v9, v4;
	v2 =	vmin.u32 v2, $0x3F;
	v9 =	vcvt.f32.s32 v11  }
0x78: {  	vm1 =	vle.f32 v1, v8;
	vm0 =	vgt.f32 v1, v10;
	v10 =	vadd.s32 $0x1, v2  }
0x79: {  	v1 =	vcvt.s32.f32 v2;
	v5 =	vsel vm0, v5, v6;
	vm0 =	vgt.s32 v9, $0x0  }
0x7a: {  	v6 =	vmax.u32 v6, $0x1;
	v11 =	vcvt.s32.f32 v10;
	v8 =	vnsel vm0, $0x0, v9  }
0x7b: {  	v6 =	vsub.s32 v6, v0;
	v8 =	vmin.u32 v8, $0x3F  }
0x7c: {  	v1 =	vmul.f32 $7.812500000e-01, v1;
	v9 =	vmul.f32 $7.812500000e-01, v11;
	v11 =	vadd.s32 $0x1, v8  }
0x7d: {  	v4 =	vmin.u32 v4, $0x3F;
	v5 =	vsel vm1, v6, v5;
	v6 =	vcvt.s32.f32 v11  }
0x7e: {  	vm1 =	vle.f32 v3, v1;
	vm0 =	vgt.f32 v3, v9;
	v1 =	vcvt.s32.f32 v8  }
0x7f: {  	v3 =	vsel vm0, v10, v2;
	v2 =	vmax.u32 v2, $0x1;
	v6 =	vmul.f32 $7.812500000e-01, v6  }
0x80: {  	v5 =	vmin.u32 v5, $0x3F;
	v2 =	vsub.s32 v2, v0;
	v1 =	vmul.f32 $7.812500000e-01, v1  }
0x81: {  	v2 =	vsel vm1, v2, v3;
	v3 =	vmax.u32 v8, $0x1;
	vm0 =	vgt.f32 v7, v6  }
0x82: {  	[tilespmem:s13+$0x2080] =	vst v4;
	vm1 =	vle.f32 v7, v1;
	v3 =	vsub.s32 v3, v0;
	v1 =	vsel vm0, v11, v8  }
0x83: {  	[tilespmem:s12+$0x2080] =	vst v5;
	v2 =	vmin.u32 v2, $0x3F;
	v1 =	vsel vm1, v3, v1  }
0x84: {  	[tilespmem:s11+$0x2080] =	vst v2;
	v1 =	vmin.u32 v1, $0x3F  }
0x85: {  	[tilespmem:s10+$0x2080] =	vst v1  }
0x86: {  	v1 =	vld [tilespmem:s31+$0x100];
	_ =	sdelay $0x4  }
0x87: {  	v1 =	vmax.f32 v1, $0.0e+00  }
0x88: {  	v2 =	vmin.f32 v1, $5.000000000e+01;
	v1 =	vld [tilespmem:s30+$0x100]  }
0x89: {  	v3 =	vmul.f32 $1.279999970e+00, v2;
	_ =	sdelay $0x1  }
0x8a: {  	v3 =	vtrunc.f32 v3  }
0x8b: {  	v3 =	vcvt.f32.s32 v3  }
0x8c: {  	v1 =	vmax.f32 v1, $0.0e+00  }
0x8d: {  	v6 =	vld [tilespmem:s0+$0x100];
	v1 =	vmin.f32 v1, $5.000000000e+01;
	vm0 =	vgt.s32 v3, $0x0  }
0x8e: {  	v4 =	vmul.f32 $1.279999970e+00, v1;
	v3 =	vnsel vm0, $0x0, v3  }
0x8f: {  	v5 =	vmin.u32 v3, $0x3F  }
0x90: {  	v3 =	vtrunc.f32 v4;
	v4 =	vadd.s32 $0x1, v5  }
0x91: {  	v7 =	vcvt.f32.s32 v3;
	v8 =	vcvt.s32.f32 v4  }
0x92: {  	v3 =	vmax.f32 v6, $0.0e+00;
	v6 =	vcvt.s32.f32 v5  }
0x93: {  	s10 =	simm.s32 $0x30;
	v3 =	vmin.f32 v3, $5.000000000e+01;
	vm0 =	vgt.s32 v7, $0x0;
	v10 =	vmul.f32 $7.812500000e-01, v8  }
0x94: {  	v9 =	vmul.f32 $1.279999970e+00, v3;
	v8 =	vmul.f32 $7.812500000e-01, v6;
	v11 =	vnsel vm0, $0x0, v7;
	v7 =	vld [tilespmem:s10+$0x100]  }
0x95: {  	s11 =	simm.s32 $0x100;
	v6 =	vmin.u32 v11, $0x3F;
	vm0 =	vgt.f32 v2, v10;
	v10 =	vmax.u32 v5, $0x1  }
.LBB2_6:
0x96: {  	p1 =	sne.s32 s11, $0x1C0;
	vm1 =	vle.f32 v2, v8;
	v11 =	vsel vm0, v4, v5;
	v8 =	vsub.s32 v10, v0;
	v2 =	vmovc v1  }
0x97: {  	v9 =	vtrunc.f32 v9;
	v4 =	vadd.s32 $0x1, v6;
	v1 =	vmovc v3;
	v5 =	vmovc v6;
	v8 =	vsel vm1, v8, v11  }
.Ltmp4:
0x98: {  	v6 =	vcvt.f32.s32 v9;
	v9 =	vcvt.s32.f32 v4;
	v3 =	vmin.u32 v8, $0x3F;
	(pc) =	sbr.rel @p1 .LBB2_6-.Ltmp4, $4  }
0x99: {  	v8 =	vcvt.s32.f32 v5;
	v7 =	vmax.f32 v7, $0.0e+00;
	[tilespmem:s31+$0x2100] =	vst v3;
	s31 =	smov.u32 s30;
	s30 =	smov.u32 s0  }
0x9a: {  	vm0 =	vgt.s32 v6, $0x0;
	v10 =	vmul.f32 $7.812500000e-01, v9;
	s0 =	smov.u32 s10;
	s10 =	sshra.s32 s11, $0x2;
	v3 =	vmin.f32 v7, $5.000000000e+01  }
0x9b: {  	v6 =	vnsel vm0, $0x0, v6;
	v8 =	vmul.f32 $7.812500000e-01, v8;
	v7 =	vld [tilespmem:s10+$0x100];
	v9 =	vmul.f32 $1.279999970e+00, v3  }
0x9c: {  	s11 =	sadd.s32 $0x40, s11;
	v6 =	vmin.u32 v6, $0x3F;
	vm0 =	vgt.f32 v2, v10;
	v10 =	vmax.u32 v5, $0x1  }
0x9d: {  	_ =	sdelay $0x1  }
0x9e: {  	v9 =	vtrunc.f32 v9;
	v4 =	vsel vm0, v4, v5  }
0x9f: {  	v5 =	vadd.s32 $0x1, v6;
	v9 =	vcvt.f32.s32 v9;
	v7 =	vmax.f32 v7, $0.0e+00  }
0xa0: {  	vm1 =	vle.f32 v2, v8;
	v8 =	vcvt.s32.f32 v6;
	v7 =	vmin.f32 v7, $5.000000000e+01  }
0xa1: {  	v11 =	vcvt.s32.f32 v5;
	vm0 =	vgt.s32 v9, $0x0;
	v12 =	vmul.f32 $1.279999970e+00, v7  }
0xa2: {  	v8 =	vmul.f32 $7.812500000e-01, v8;
	v2 =	vnsel vm0, $0x0, v9  }
0xa3: {  	v9 =	vsub.s32 v10, v0;
	v10 =	vmul.f32 $7.812500000e-01, v11;
	v11 =	vtrunc.f32 v12  }
0xa4: {  	v4 =	vsel vm1, v9, v4;
	v2 =	vmin.u32 v2, $0x3F;
	v9 =	vcvt.f32.s32 v11  }
0xa5: {  	vm1 =	vle.f32 v1, v8;
	vm0 =	vgt.f32 v1, v10;
	v10 =	vadd.s32 $0x1, v2  }
0xa6: {  	v1 =	vcvt.s32.f32 v2;
	v5 =	vsel vm0, v5, v6;
	vm0 =	vgt.s32 v9, $0x0  }
0xa7: {  	v6 =	vmax.u32 v6, $0x1;
	v11 =	vcvt.s32.f32 v10;
	v8 =	vnsel vm0, $0x0, v9  }
0xa8: {  	v6 =	vsub.s32 v6, v0;
	v8 =	vmin.u32 v8, $0x3F  }
0xa9: {  	v1 =	vmul.f32 $7.812500000e-01, v1;
	v9 =	vmul.f32 $7.812500000e-01, v11;
	v11 =	vadd.s32 $0x1, v8  }
0xaa: {  	v4 =	vmin.u32 v4, $0x3F;
	v5 =	vsel vm1, v6, v5;
	v6 =	vcvt.s32.f32 v11  }
0xab: {  	vm1 =	vle.f32 v3, v1;
	vm0 =	vgt.f32 v3, v9;
	v1 =	vcvt.s32.f32 v8  }
0xac: {  	v3 =	vsel vm0, v10, v2;
	v2 =	vmax.u32 v2, $0x1;
	v6 =	vmul.f32 $7.812500000e-01, v6  }
0xad: {  	v5 =	vmin.u32 v5, $0x3F;
	v2 =	vsub.s32 v2, v0;
	v1 =	vmul.f32 $7.812500000e-01, v1  }
0xae: {  	v2 =	vsel vm1, v2, v3;
	v3 =	vmax.u32 v8, $0x1;
	vm0 =	vgt.f32 v7, v6  }
0xaf: {  	[tilespmem:s31+$0x2100] =	vst v4;
	vm1 =	vle.f32 v7, v1;
	v3 =	vsub.s32 v3, v0;
	v1 =	vsel vm0, v11, v8  }
0xb0: {  	[tilespmem:s30+$0x2100] =	vst v5;
	v2 =	vmin.u32 v2, $0x3F;
	v1 =	vsel vm1, v3, v1  }
0xb1: {  	[tilespmem:s0+$0x2100] =	vst v2;
	v1 =	vmin.u32 v1, $0x3F  }
0xb2: {  	s31 =	simm.s32 $0x0;
	[tilespmem:s10+$0x2100] =	vst v1  }
0xb3: {  	v1 =	vld [tilespmem:s31+$0x180];
	_ =	sdelay $0x4  }
0xb4: {  	s30 =	simm.s32 $0x10;
	v1 =	vmax.f32 v1, $0.0e+00  }
0xb5: {  	v2 =	vmin.f32 v1, $5.000000000e+01;
	v1 =	vld [tilespmem:s30+$0x180]  }
0xb6: {  	v3 =	vmul.f32 $1.279999970e+00, v2;
	_ =	sdelay $0x1  }
0xb7: {  	v3 =	vtrunc.f32 v3  }
0xb8: {  	v3 =	vcvt.f32.s32 v3  }
0xb9: {  	s0 =	simm.s32 $0x20;
	v1 =	vmax.f32 v1, $0.0e+00  }
0xba: {  	v6 =	vld [tilespmem:s0+$0x180];
	v1 =	vmin.f32 v1, $5.000000000e+01;
	vm0 =	vgt.s32 v3, $0x0  }
0xbb: {  	v4 =	vmul.f32 $1.279999970e+00, v1;
	v3 =	vnsel vm0, $0x0, v3  }
0xbc: {  	v5 =	vmin.u32 v3, $0x3F  }
0xbd: {  	v3 =	vtrunc.f32 v4;
	v4 =	vadd.s32 $0x1, v5  }
0xbe: {  	v7 =	vcvt.f32.s32 v3;
	v8 =	vcvt.s32.f32 v4  }
0xbf: {  	v3 =	vmax.f32 v6, $0.0e+00;
	v6 =	vcvt.s32.f32 v5  }
0xc0: {  	s10 =	simm.s32 $0x30;
	v3 =	vmin.f32 v3, $5.000000000e+01;
	vm0 =	vgt.s32 v7, $0x0;
	v10 =	vmul.f32 $7.812500000e-01, v8  }
0xc1: {  	s14 =	simm.s32 $0x100;
	v9 =	vmul.f32 $1.279999970e+00, v3;
	v8 =	vmul.f32 $7.812500000e-01, v6;
	v11 =	vnsel vm0, $0x0, v7;
	v7 =	vld [tilespmem:s10+$0x180]  }
0xc2: {  	s13 =	simm.s32 $0x0;
	s12 =	simm.s32 $0x10;
	s11 =	simm.s32 $0x20;
	v6 =	vmin.u32 v11, $0x3F;
	vm0 =	vgt.f32 v2, v10;
	v10 =	vmax.u32 v5, $0x1  }
.LBB2_8:
0xc3: {  	p1 =	sne.s32 s14, $0x1C0;
	vm1 =	vle.f32 v2, v8;
	v11 =	vsel vm0, v4, v5;
	v8 =	vsub.s32 v10, v0;
	v2 =	vmovc v1  }
0xc4: {  	v9 =	vtrunc.f32 v9;
	v4 =	vadd.s32 $0x1, v6;
	v1 =	vmovc v3;
	v5 =	vmovc v6;
	v8 =	vsel vm1, v8, v11  }
.Ltmp5:
0xc5: {  	v6 =	vcvt.f32.s32 v9;
	v9 =	vcvt.s32.f32 v4;
	v3 =	vmin.u32 v8, $0x3F;
	(pc) =	sbr.rel @p1 .LBB2_8-.Ltmp5, $4  }
0xc6: {  	v8 =	vcvt.s32.f32 v5;
	v7 =	vmax.f32 v7, $0.0e+00;
	[tilespmem:s13+$0x2180] =	vst v3;
	s13 =	smov.u32 s12;
	s12 =	smov.u32 s11;
	s11 =	smov.u32 s10  }
0xc7: {  	s10 =	sshra.s32 s14, $0x2;
	vm0 =	vgt.s32 v6, $0x0;
	v10 =	vmul.f32 $7.812500000e-01, v9;
	v3 =	vmin.f32 v7, $5.000000000e+01  }
0xc8: {  	v6 =	vnsel vm0, $0x0, v6;
	v8 =	vmul.f32 $7.812500000e-01, v8;
	v7 =	vld [tilespmem:s10+$0x180];
	v9 =	vmul.f32 $1.279999970e+00, v3  }
0xc9: {  	s14 =	sadd.s32 $0x40, s14;
	v6 =	vmin.u32 v6, $0x3F;
	vm0 =	vgt.f32 v2, v10;
	v10 =	vmax.u32 v5, $0x1  }
0xca: {  	_ =	sdelay $0x1  }
0xcb: {  	v9 =	vtrunc.f32 v9;
	v4 =	vsel vm0, v4, v5  }
0xcc: {  	v5 =	vadd.s32 $0x1, v6;
	v9 =	vcvt.f32.s32 v9;
	v7 =	vmax.f32 v7, $0.0e+00  }
0xcd: {  	vm1 =	vle.f32 v2, v8;
	v8 =	vcvt.s32.f32 v6;
	v7 =	vmin.f32 v7, $5.000000000e+01  }
0xce: {  	v11 =	vcvt.s32.f32 v5;
	vm0 =	vgt.s32 v9, $0x0;
	v12 =	vmul.f32 $1.279999970e+00, v7  }
0xcf: {  	v8 =	vmul.f32 $7.812500000e-01, v8;
	v2 =	vnsel vm0, $0x0, v9  }
0xd0: {  	v9 =	vsub.s32 v10, v0;
	v10 =	vmul.f32 $7.812500000e-01, v11;
	v11 =	vtrunc.f32 v12  }
0xd1: {  	v4 =	vsel vm1, v9, v4;
	v2 =	vmin.u32 v2, $0x3F;
	v9 =	vcvt.f32.s32 v11  }
0xd2: {  	vm1 =	vle.f32 v1, v8;
	vm0 =	vgt.f32 v1, v10;
	v10 =	vadd.s32 $0x1, v2  }
0xd3: {  	v1 =	vcvt.s32.f32 v2;
	v5 =	vsel vm0, v5, v6;
	vm0 =	vgt.s32 v9, $0x0  }
0xd4: {  	v6 =	vmax.u32 v6, $0x1;
	v11 =	vcvt.s32.f32 v10;
	v8 =	vnsel vm0, $0x0, v9  }
0xd5: {  	v6 =	vsub.s32 v6, v0;
	v8 =	vmin.u32 v8, $0x3F  }
0xd6: {  	v1 =	vmul.f32 $7.812500000e-01, v1;
	v9 =	vmul.f32 $7.812500000e-01, v11;
	v11 =	vadd.s32 $0x1, v8  }
0xd7: {  	v4 =	vmin.u32 v4, $0x3F;
	v5 =	vsel vm1, v6, v5;
	v6 =	vcvt.s32.f32 v11  }
0xd8: {  	vm1 =	vle.f32 v3, v1;
	vm0 =	vgt.f32 v3, v9;
	v1 =	vcvt.s32.f32 v8  }
0xd9: {  	v3 =	vsel vm0, v10, v2;
	v2 =	vmax.u32 v2, $0x1;
	v6 =	vmul.f32 $7.812500000e-01, v6  }
0xda: {  	v5 =	vmin.u32 v5, $0x3F;
	v2 =	vsub.s32 v2, v0;
	v1 =	vmul.f32 $7.812500000e-01, v1  }
0xdb: {  	v2 =	vsel vm1, v2, v3;
	v3 =	vmax.u32 v8, $0x1;
	vm0 =	vgt.f32 v7, v6  }
0xdc: {  	[tilespmem:s13+$0x2180] =	vst v4;
	vm1 =	vle.f32 v7, v1;
	v3 =	vsub.s32 v3, v0;
	v1 =	vsel vm0, v11, v8  }
0xdd: {  	[tilespmem:s12+$0x2180] =	vst v5;
	v2 =	vmin.u32 v2, $0x3F;
	v1 =	vsel vm1, v3, v1  }
0xde: {  	[tilespmem:s11+$0x2180] =	vst v2;
	v1 =	vmin.u32 v1, $0x3F  }
0xdf: {  	[tilespmem:s10+$0x2180] =	vst v1  }
0xe0: {  	v1 =	vld [tilespmem:s31+$0x200];
	_ =	sdelay $0x4  }
0xe1: {  	v1 =	vmax.f32 v1, $0.0e+00  }
0xe2: {  	v2 =	vmin.f32 v1, $5.000000000e+01;
	v1 =	vld [tilespmem:s30+$0x200]  }
0xe3: {  	v3 =	vmul.f32 $1.279999970e+00, v2;
	_ =	sdelay $0x1  }
0xe4: {  	v3 =	vtrunc.f32 v3  }
0xe5: {  	v3 =	vcvt.f32.s32 v3  }
0xe6: {  	v1 =	vmax.f32 v1, $0.0e+00  }
0xe7: {  	v6 =	vld [tilespmem:s0+$0x200];
	v1 =	vmin.f32 v1, $5.000000000e+01;
	vm0 =	vgt.s32 v3, $0x0  }
0xe8: {  	v4 =	vmul.f32 $1.279999970e+00, v1;
	v3 =	vnsel vm0, $0x0, v3  }
0xe9: {  	v5 =	vmin.u32 v3, $0x3F  }
0xea: {  	v3 =	vtrunc.f32 v4;
	v4 =	vadd.s32 $0x1, v5  }
0xeb: {  	v7 =	vcvt.f32.s32 v3;
	v8 =	vcvt.s32.f32 v4  }
0xec: {  	v3 =	vmax.f32 v6, $0.0e+00;
	v6 =	vcvt.s32.f32 v5  }
0xed: {  	s10 =	simm.s32 $0x30;
	v3 =	vmin.f32 v3, $5.000000000e+01;
	vm0 =	vgt.s32 v7, $0x0;
	v10 =	vmul.f32 $7.812500000e-01, v8  }
0xee: {  	v9 =	vmul.f32 $1.279999970e+00, v3;
	v8 =	vmul.f32 $7.812500000e-01, v6;
	v11 =	vnsel vm0, $0x0, v7;
	v7 =	vld [tilespmem:s10+$0x200]  }
0xef: {  	s11 =	simm.s32 $0x100;
	v6 =	vmin.u32 v11, $0x3F;
	vm0 =	vgt.f32 v2, v10;
	v10 =	vmax.u32 v5, $0x1  }
.LBB2_10:
0xf0: {  	p1 =	sne.s32 s11, $0x1C0;
	vm1 =	vle.f32 v2, v8;
	v11 =	vsel vm0, v4, v5;
	v8 =	vsub.s32 v10, v0;
	v2 =	vmovc v1  }
0xf1: {  	v9 =	vtrunc.f32 v9;
	v4 =	vadd.s32 $0x1, v6;
	v1 =	vmovc v3;
	v5 =	vmovc v6;
	v8 =	vsel vm1, v8, v11  }
.Ltmp6:
0xf2: {  	v6 =	vcvt.f32.s32 v9;
	v9 =	vcvt.s32.f32 v4;
	v3 =	vmin.u32 v8, $0x3F;
	(pc) =	sbr.rel @p1 .LBB2_10-.Ltmp6, $4  }
0xf3: {  	v8 =	vcvt.s32.f32 v5;
	v7 =	vmax.f32 v7, $0.0e+00;
	[tilespmem:s31+$0x2200] =	vst v3;
	s31 =	smov.u32 s30;
	s30 =	smov.u32 s0;
	s0 =	smov.u32 s10  }
0xf4: {  	s10 =	sshra.s32 s11, $0x2;
	vm0 =	vgt.s32 v6, $0x0;
	v10 =	vmul.f32 $7.812500000e-01, v9;
	v3 =	vmin.f32 v7, $5.000000000e+01  }
0xf5: {  	v6 =	vnsel vm0, $0x0, v6;
	v8 =	vmul.f32 $7.812500000e-01, v8;
	v7 =	vld [tilespmem:s10+$0x200];
	v9 =	vmul.f32 $1.279999970e+00, v3  }
0xf6: {  	s11 =	sadd.s32 $0x40, s11;
	v6 =	vmin.u32 v6, $0x3F;
	vm0 =	vgt.f32 v2, v10;
	v10 =	vmax.u32 v5, $0x1  }
0xf7: {  	_ =	sdelay $0x1  }
0xf8: {  	v9 =	vtrunc.f32 v9;
	v4 =	vsel vm0, v4, v5  }
0xf9: {  	v5 =	vadd.s32 $0x1, v6;
	v9 =	vcvt.f32.s32 v9;
	v7 =	vmax.f32 v7, $0.0e+00  }
0xfa: {  	vm1 =	vle.f32 v2, v8;
	v8 =	vcvt.s32.f32 v6;
	v7 =	vmin.f32 v7, $5.000000000e+01  }
0xfb: {  	v11 =	vcvt.s32.f32 v5;
	vm0 =	vgt.s32 v9, $0x0;
	v12 =	vmul.f32 $1.279999970e+00, v7  }
0xfc: {  	v8 =	vmul.f32 $7.812500000e-01, v8;
	v2 =	vnsel vm0, $0x0, v9  }
0xfd: {  	v9 =	vsub.s32 v10, v0;
	v10 =	vmul.f32 $7.812500000e-01, v11;
	v11 =	vtrunc.f32 v12  }
0xfe: {  	v4 =	vsel vm1, v9, v4;
	v2 =	vmin.u32 v2, $0x3F;
	v9 =	vcvt.f32.s32 v11  }
0xff: {  	vm1 =	vle.f32 v1, v8;
	vm0 =	vgt.f32 v1, v10;
	v10 =	vadd.s32 $0x1, v2  }
0x100: {  	v1 =	vcvt.s32.f32 v2;
	v5 =	vsel vm0, v5, v6;
	vm0 =	vgt.s32 v9, $0x0  }
0x101: {  	v6 =	vmax.u32 v6, $0x1;
	v11 =	vcvt.s32.f32 v10;
	v8 =	vnsel vm0, $0x0, v9  }
0x102: {  	v6 =	vsub.s32 v6, v0;
	v8 =	vmin.u32 v8, $0x3F  }
0x103: {  	v1 =	vmul.f32 $7.812500000e-01, v1;
	v9 =	vmul.f32 $7.812500000e-01, v11;
	v11 =	vadd.s32 $0x1, v8  }
0x104: {  	v4 =	vmin.u32 v4, $0x3F;
	v5 =	vsel vm1, v6, v5;
	v6 =	vcvt.s32.f32 v11  }
0x105: {  	vm1 =	vle.f32 v3, v1;
	vm0 =	vgt.f32 v3, v9;
	v1 =	vcvt.s32.f32 v8  }
0x106: {  	v3 =	vsel vm0, v10, v2;
	v2 =	vmax.u32 v2, $0x1;
	v6 =	vmul.f32 $7.812500000e-01, v6  }
0x107: {  	v5 =	vmin.u32 v5, $0x3F;
	v2 =	vsub.s32 v2, v0;
	v1 =	vmul.f32 $7.812500000e-01, v1  }
0x108: {  	v2 =	vsel vm1, v2, v3;
	v3 =	vmax.u32 v8, $0x1;
	vm0 =	vgt.f32 v7, v6  }
0x109: {  	[tilespmem:s31+$0x2200] =	vst v4;
	vm1 =	vle.f32 v7, v1;
	v3 =	vsub.s32 v3, v0;
	v1 =	vsel vm0, v11, v8  }
0x10a: {  	[tilespmem:s30+$0x2200] =	vst v5;
	v2 =	vmin.u32 v2, $0x3F;
	v1 =	vsel vm1, v3, v1  }
0x10b: {  	[tilespmem:s0+$0x2200] =	vst v2;
	v1 =	vmin.u32 v1, $0x3F  }
0x10c: {  	[tilespmem:s10+$0x2200] =	vst v1;
	s10 =	simm.s32 $0x0  }
0x10d: {  	v1 =	vld [tilespmem:s10+$0x280];
	_ =	sdelay $0x4  }
0x10e: {  	s0 =	simm.s32 $0x10;
	v1 =	vmax.f32 v1, $0.0e+00  }
0x10f: {  	v2 =	vmin.f32 v1, $5.000000000e+01;
	v1 =	vld [tilespmem:s0+$0x280]  }
0x110: {  	v3 =	vmul.f32 $1.279999970e+00, v2;
	_ =	sdelay $0x1  }
0x111: {  	v3 =	vtrunc.f32 v3  }
0x112: {  	v3 =	vcvt.f32.s32 v3  }
0x113: {  	s30 =	simm.s32 $0x20;
	v1 =	vmax.f32 v1, $0.0e+00  }
0x114: {  	v6 =	vld [tilespmem:s30+$0x280];
	v1 =	vmin.f32 v1, $5.000000000e+01;
	vm0 =	vgt.s32 v3, $0x0  }
0x115: {  	v4 =	vmul.f32 $1.279999970e+00, v1;
	v3 =	vnsel vm0, $0x0, v3  }
0x116: {  	v5 =	vmin.u32 v3, $0x3F  }
0x117: {  	v3 =	vtrunc.f32 v4;
	v4 =	vadd.s32 $0x1, v5  }
0x118: {  	v7 =	vcvt.f32.s32 v3;
	v8 =	vcvt.s32.f32 v4  }
0x119: {  	v3 =	vmax.f32 v6, $0.0e+00;
	v6 =	vcvt.s32.f32 v5  }
0x11a: {  	s11 =	simm.s32 $0x30;
	v3 =	vmin.f32 v3, $5.000000000e+01;
	vm0 =	vgt.s32 v7, $0x0;
	v10 =	vmul.f32 $7.812500000e-01, v8  }
0x11b: {  	v9 =	vmul.f32 $1.279999970e+00, v3;
	v8 =	vmul.f32 $7.812500000e-01, v6;
	v11 =	vnsel vm0, $0x0, v7;
	v7 =	vld [tilespmem:s11+$0x280]  }
0x11c: {  	s12 =	simm.s32 $0x100;
	v6 =	vmin.u32 v11, $0x3F;
	vm0 =	vgt.f32 v2, v10;
	v10 =	vmax.u32 v5, $0x1  }
.LBB2_12:
0x11d: {  	p1 =	sne.s32 s12, $0x1C0;
	vm1 =	vle.f32 v2, v8;
	v11 =	vsel vm0, v4, v5;
	v8 =	vsub.s32 v10, v0;
	v2 =	vmovc v1  }
0x11e: {  	v9 =	vtrunc.f32 v9;
	v4 =	vadd.s32 $0x1, v6;
	v1 =	vmovc v3;
	v5 =	vmovc v6;
	v8 =	vsel vm1, v8, v11  }
.Ltmp7:
0x11f: {  	v6 =	vcvt.f32.s32 v9;
	v9 =	vcvt.s32.f32 v4;
	v3 =	vmin.u32 v8, $0x3F;
	(pc) =	sbr.rel @p1 .LBB2_12-.Ltmp7, $4  }
0x120: {  	v8 =	vcvt.s32.f32 v5;
	v7 =	vmax.f32 v7, $0.0e+00;
	[tilespmem:s10+$0x2280] =	vst v3;
	s10 =	smov.u32 s0;
	s0 =	smov.u32 s30;
	s30 =	smov.u32 s11  }
0x121: {  	s11 =	sshra.s32 s12, $0x2;
	vm0 =	vgt.s32 v6, $0x0;
	v10 =	vmul.f32 $7.812500000e-01, v9;
	v3 =	vmin.f32 v7, $5.000000000e+01  }
0x122: {  	v6 =	vnsel vm0, $0x0, v6;
	v8 =	vmul.f32 $7.812500000e-01, v8;
	v7 =	vld [tilespmem:s11+$0x280];
	v9 =	vmul.f32 $1.279999970e+00, v3  }
0x123: {  	s12 =	sadd.s32 $0x40, s12;
	v6 =	vmin.u32 v6, $0x3F;
	vm0 =	vgt.f32 v2, v10;
	v10 =	vmax.u32 v5, $0x1  }
0x124: {  	_ =	sdelay $0x2  }
0x125: {  	v9 =	vtrunc.f32 v9;
	v4 =	vsel vm0, v4, v5;
	v7 =	vmax.f32 v7, $0.0e+00  }
0x126: {  	v51 =	vadd.s32 $0x1, v6;
	v52 =	vcvt.s32.f32 v6;
	v7 =	vmin.f32 v7, $5.000000000e+01  }
0x127: {  	vm1 =	vle.f32 v2, v8;
	v9 =	vcvt.f32.s32 v9;
	v12 =	vmul.f32 $1.279999970e+00, v7  }
0x128: {  	v53 =	vsub.s32 v10, v0;
	v60 =	vmax.u32 v6, $0x1;
	v11 =	vcvt.s32.f32 v51  }
0x129: {  	v8 =	vmul.f32 $7.812500000e-01, v52;
	vm8 =	vgt.s32 v9, $0x0;
	v55 =	vtrunc.f32 v12  }
0x12a: {  	v54 =	vmul.f32 $7.812500000e-01, v11;
	v2 =	vnsel vm8, $0x0, v9;
	v56 =	vcvt.f32.s32 v55  }
0x12b: {  	v4 =	vsel vm1, v53, v4;
	vm11 =	vle.f32 v1, v8;
	v2 =	vmin.u32 v2, $0x3F  }
0x12c: {  	vm9 =	vgt.f32 v1, v54;
	v57 =	vadd.s32 $0x1, v2;
	vm10 =	vgt.s32 v56, $0x0  }
0x12d: {  	v1 =	vcvt.s32.f32 v2;
	v58 =	vcvt.s32.f32 v57;
	v59 =	vnsel vm10, $0x0, v56  }
0x12e: {  	v5 =	vsel vm9, v51, v6;
	v6 =	vsub.s32 v60, v0;
	v8 =	vmin.u32 v59, $0x3F  }
0x12f: {  	v1 =	vmul.f32 $7.812500000e-01, v1;
	v61 =	vmul.f32 $7.812500000e-01, v58;
	v62 =	vadd.s32 $0x1, v8  }
0x130: {  	v4 =	vmin.u32 v4, $0x3F;
	v5 =	vsel vm11, v6, v5;
	v63 =	vcvt.s32.f32 v62  }
0x131: {  	vm13 =	vle.f32 v3, v1;
	vm12 =	vgt.f32 v3, v61;
	v1 =	vcvt.s32.f32 v8  }
0x132: {  	v3 =	vsel vm12, v57, v2;
	v2 =	vmax.u32 v2, $0x1;
	v6 =	vmul.f32 $7.812500000e-01, v63  }
0x133: {  	v5 =	vmin.u32 v5, $0x3F;
	v2 =	vsub.s32 v2, v0;
	v1 =	vmul.f32 $7.812500000e-01, v1  }
0x134: {  	v2 =	vsel vm13, v2, v3;
	v3 =	vmax.u32 v8, $0x1;
	vm14 =	vgt.f32 v7, v6  }
0x135: {  	[tilespmem:s10+$0x2280] =	vst v4;
	v3 =	vsub.s32 v3, v0;
	vm15 =	vle.f32 v7, v1;
	v1 =	vsel vm14, v62, v8  }
0x136: {  	[tilespmem:s0+$0x2280] =	vst v5;
	v2 =	vmin.u32 v2, $0x3F;
	v1 =	vsel vm15, v3, v1  }
0x137: {  	[tilespmem:s30+$0x2280] =	vst v2;
	v1 =	vmin.u32 v1, $0x3F  }
0x138: {  	[tilespmem:s11+$0x2280] =	vst v1  }
0x139: {  	s10 =	simm.s32 $0x2000;
	s11 =	simm.s32 $0x4200;
	[bflag:$0x0] =	sbarrier.arrive $0xFFFF  }
0x13a: {  	[tilespmem:s11], [sflag:$0x1] =	stream.indirect.gather [spmem:s1], $0x80, s10, s9, $0xb8;
	[tilespmem:$0x1C200] =	vst v63  }
0x13b: {  	s12 =	simm.s32 $0x2080;
	s13 =	simm.s32 $0x8200  }
0x13c: {  	[tilespmem:s13], [sflag:$0x2] =	stream.indirect.gather [spmem:s1], $0x80, s12, s9, $0xb8;
	[tilespmem:$0x1C200] =	vst v63  }
0x13d: {  	s14 =	simm.s32 $0x2100;
	s15 =	simm.s32 $0xC200  }
0x13e: {  	[tilespmem:s15], [sflag:$0x3] =	stream.indirect.gather [spmem:s1], $0x80, s14, s9, $0xb8;
	[tilespmem:$0x1C200] =	vst v63  }
0x13f: {  	s16 =	simm.s32 $0x2180  }
0x140: {  	[tilespmem:s17], [sflag:$0x4] =	stream.indirect.gather [spmem:s1], $0x80, s16, s9, $0xb8;
	[tilespmem:$0x1C200] =	vst v63  }
.Ltmp8:
0x141: {  	_ = 	snop;
	(pc) =	sbr.rel .LBB2_14-.Ltmp8, $4  }
0x142: {  	s31 =	simm.s32 $0x300  }
0x143: {  	[tilespmem:s19], [sflag:$0x5] =	stream.indirect.gather [spmem:s1], $0x80, s18, s9, $0xb8;
	[tilespmem:$0x1C200] =	vst v63  }
0x144: {  	s0 =	simm.s32 $0x0;
	s30 =	simm.s32 $0x2300;
	s10 =	simm.s32 $0x0  }
0x145: {  	[tilespmem:s21], [sflag:$0x6] =	stream.indirect.gather [spmem:s1], $0x80, s20, s9, $0xb8;
	[tilespmem:$0x1C200] =	vst v63  }
.LBB2_18:
0x146: {  	s11 =	sadd.s32 $0xFFFFFFFE, s10  }
0x147: {  	p1 =	sgt.u32 s11, $0x39  }
0x148: {  	s11 =	sadd.s32 @!p1 $0x4, s10  }
0x149: {  	s12 =	smul.u32 @!p1 $0xAB, s11;
	_ =	sdelay $0x1  }
0x14a: {  	s12 =	sshrl.u32 @!p1 s12, $0xA  }
0x14b: {  	s12 =	sand.u32 @!p1 $0x3F, s12  }
0x14c: {  	s12 =	smul.u32 @!p1 $0x6, s12;
	_ =	sdelay $0x1  }
0x14d: {  	s12 =	ssub.s32 @!p1 s11, s12  }
0x14e: {  	s12 =	sand.u32 @!p1 $0xFF, s12  }
0x14f: {  	s10 =	sadd.s32 $0x1, s10;
	s11 =	sshll.u32 @!p1 s11, $0x7;
	s13 =	sadd.s32 @!p1 $0x7, s12  }
0x150: {  	s11 =	sand.u32 @!p1 $0x3FFFFF80, s11;
	s14 =	sshll.u32 @!p1 s12, $0xE;
	_ =	swait.ge @!p1 [sflag:s13], $0x4000  }
0x151: {  	s11 =	sadd.s32 @!p1 $0x2000, s11;
	s12 =	sadd.s32 @!p1 $0x1, s12;
	[sflag:s13] =	ssyncset.done @!p1 $0x0  }
0x152: {  	s14 =	sadd.s32 @!p1 $0x4200, s14;
	[sflag:s13] =	ssyncadd.s32 @!p1 $0xFFFFC000;
	s13 =	simm.s32 @!p1 $0x80  }
0x153: {  	[tilespmem:s14], [sflag:s12] =	stream.indirect.gather @!p1 [spmem:s1], $0x80, s11, s13, $0xb8;
	[tilespmem:$0x1C200] =	vst v63  }
0x154: {  	p1 =	sne.s32 s10, $0x40  }
.Ltmp9:
0x155: {  	_ = 	snop;
	(pc) =	sbr.rel @!p1 .LBB2_19-.Ltmp9, $2  }
0x156: {  	_ =	sdelay $0x2  }
0x157: {  	s30 =	sadd.s32 $0x80, s30;
	s31 =	sadd.s32 $0x80, s31  }
.LBB2_14:
0x158: {  	s11 =	smul.u32 $0xAB, s10;
	_ =	sdelay $0x1  }
0x159: {  	s11 =	sshrl.u32 s11, $0xA  }
0x15a: {  	s11 =	sand.u32 $0x3F, s11  }
0x15b: {  	s11 =	smul.u32 $0x6, s11;
	_ =	sdelay $0x1  }
0x15c: {  	s11 =	ssub.s32 s10, s11  }
0x15d: {  	p1 =	sgt.u32 s10, $0x39;
	s11 =	sand.u32 $0xFF, s11  }
.Ltmp10:
0x15e: {  	s12 =	sadd.s32 $0x1, s11;
	(pc) =	sbr.rel @p1 .LBB2_18-.Ltmp10, $4  }
0x15f: {  	s13 =	sshll.u32 s10, $0xB;
	_ =	swait.ge [sflag:s12], $0x4000  }
0x160: {  	s13 =	sadd.s32 s13, s5;
	s16 =	sshll.u32 s11, $0xE;
	[sflag:s12] =	ssyncset.done $0x0  }
0x161: {  	s11 =	sadd.s32 $0x7, s11;
	[sflag:s12] =	ssyncadd.s32 $0xFFFFC000;
	s12 =	sadd.s32 $0x4200, s16  }
0x162: {  	[hbm4b:s13+s0] =	stream.linear.scatter [tilespmem:s12], [sflag:s11], $0x4000, $0x38;
	[tilespmem:$0x1C200] =	vst v63  }
0x163: {  	s11 =	sadd.s32 $0x0, s31  }
0x164: {  	v1 =	vld [tilespmem:s11+$0x0];
	_ =	sdelay $0x4  }
0x165: {  	s15 =	sadd.s32 $0x10, s31;
	v1 =	vmax.f32 v1, $0.0e+00  }
0x166: {  	v4 =	vmin.f32 v1, $5.000000000e+01;
	v1 =	vld [tilespmem:s15+$0x0]  }
0x167: {  	v2 =	vmul.f32 $1.279999970e+00, v4;
	_ =	sdelay $0x1  }
0x168: {  	v2 =	vtrunc.f32 v2  }
0x169: {  	v2 =	vcvt.f32.s32 v2  }
0x16a: {  	s16 =	sadd.s32 $0x20, s31;
	v1 =	vmax.f32 v1, $0.0e+00  }
0x16b: {  	v6 =	vld [tilespmem:s16+$0x0];
	v1 =	vmin.f32 v1, $5.000000000e+01;
	vm0 =	vgt.s32 v2, $0x0  }
0x16c: {  	v5 =	vmul.f32 $1.279999970e+00, v1;
	v2 =	vnsel vm0, $0x0, v2  }
0x16d: {  	v3 =	vmin.u32 v2, $0x3F  }
0x16e: {  	v2 =	vtrunc.f32 v5;
	v5 =	vadd.s32 $0x1, v3  }
0x16f: {  	v9 =	vcvt.f32.s32 v2;
	v7 =	vcvt.s32.f32 v5  }
0x170: {  	v11 =	vcvt.s32.f32 v3;
	v2 =	vmax.f32 v6, $0.0e+00  }
0x171: {  	s14 =	simm.s32 $0x0;
	s12 =	simm.s32 $0x10;
	s15 =	sadd.s32 $0x30, s31;
	v2 =	vmin.f32 v2, $5.000000000e+01;
	vm15 =	vgt.s32 v9, $0x0;
	v7 =	vmul.f32 $7.812500000e-01, v7  }
0x172: {  	s13 =	simm.s32 $0x20;
	s11 =	simm.s32 $0x30;
	v6 =	vld [tilespmem:s15+$0x0];
	s15 =	simm.s32 $0x100;
	v8 =	vmul.f32 $1.279999970e+00, v2;
	v10 =	vnsel vm15, $0x0, v9;
	v9 =	vmul.f32 $7.812500000e-01, v11  }
.LBB2_16:
0x173: {  	p1 =	sne.s32 s15, $0x1C0;
	v10 =	vmin.u32 v10, $0x3F;
	vm0 =	vgt.f32 v4, v7;
	v7 =	vmax.u32 v3, $0x1  }
0x174: {  	vm1 =	vle.f32 v4, v9;
	v9 =	vsel vm0, v5, v3;
	v7 =	vsub.s32 v7, v0;
	v3 =	vmovc v10  }
.Ltmp11:
0x175: {  	v8 =	vtrunc.f32 v8;
	v4 =	vmovc v1;
	v1 =	vmovc v2;
	v5 =	vadd.s32 $0x1, v3;
	v7 =	vsel vm1, v7, v9;
	(pc) =	sbr.rel @p1 .LBB2_16-.Ltmp11, $4  }
0x176: {  	s16 =	sadd.s32 s14, s30;
	s14 =	smov.u32 s12;
	s12 =	smov.u32 s13;
	v9 =	vcvt.f32.s32 v8;
	v8 =	vcvt.s32.f32 v5;
	v2 =	vmin.u32 v7, $0x3F  }
0x177: {  	s13 =	smov.u32 s11;
	s11 =	sshra.s32 s15, $0x2;
	v11 =	vcvt.s32.f32 v3;
	v6 =	vmax.f32 v6, $0.0e+00;
	[tilespmem:s16+$0x0] =	vst v2  }
0x178: {  	s16 =	sadd.s32 s11, s31;
	vm0 =	vgt.s32 v9, $0x0;
	v2 =	vmin.f32 v6, $5.000000000e+01;
	v7 =	vmul.f32 $7.812500000e-01, v8  }
0x179: {  	s15 =	sadd.s32 $0x40, s15;
	v10 =	vnsel vm0, $0x0, v9;
	v9 =	vmul.f32 $7.812500000e-01, v11;
	v6 =	vld [tilespmem:s16+$0x0];
	v8 =	vmul.f32 $1.279999970e+00, v2  }
0x17a: {  	_ =	sdelay $0x2  }
0x17b: {  	v10 =	vmin.u32 v10, $0x3F;
	vm0 =	vgt.f32 v4, v7;
	v49 =	vtrunc.f32 v8  }
0x17c: {  	vm1 =	vle.f32 v4, v9;
	v5 =	vsel vm0, v5, v3;
	v6 =	vmax.f32 v6, $0.0e+00  }
0x17d: {  	v51 =	vadd.s32 $0x1, v10;
	v11 =	vcvt.s32.f32 v10;
	v6 =	vmin.f32 v6, $5.000000000e+01  }
0x17e: {  	v3 =	vmax.u32 v3, $0x1;
	v50 =	vcvt.f32.s32 v49;
	v53 =	vmul.f32 $1.279999970e+00, v6  }
0x17f: {  	v58 =	vmax.u32 v10, $0x1;
	v52 =	vcvt.s32.f32 v51;
	v3 =	vsub.s32 v3, v0  }
0x180: {  	v55 =	vmul.f32 $7.812500000e-01, v11;
	vm8 =	vgt.s32 v50, $0x0;
	v9 =	vtrunc.f32 v53  }
0x181: {  	v8 =	vmul.f32 $7.812500000e-01, v52;
	v4 =	vnsel vm8, $0x0, v50;
	v54 =	vcvt.f32.s32 v9  }
0x182: {  	v3 =	vsel vm1, v3, v5;
	vm11 =	vle.f32 v1, v55;
	v4 =	vmin.u32 v4, $0x3F  }
0x183: {  	vm9 =	vgt.f32 v1, v8;
	v56 =	vadd.s32 $0x1, v4;
	vm10 =	vgt.s32 v54, $0x0  }
0x184: {  	v1 =	vcvt.s32.f32 v4;
	v57 =	vcvt.s32.f32 v56;
	v5 =	vnsel vm10, $0x0, v54  }
0x185: {  	v7 =	vsel vm9, v51, v10;
	v9 =	vsub.s32 v58, v0;
	v5 =	vmin.u32 v5, $0x3F  }
0x186: {  	v1 =	vmul.f32 $7.812500000e-01, v1;
	v59 =	vmul.f32 $7.812500000e-01, v57;
	v60 =	vadd.s32 $0x1, v5  }
0x187: {  	v3 =	vmin.u32 v3, $0x3F;
	v7 =	vsel vm11, v9, v7;
	v61 =	vcvt.s32.f32 v60  }
0x188: {  	vm13 =	vle.f32 v2, v1;
	vm12 =	vgt.f32 v2, v59;
	v1 =	vcvt.s32.f32 v5  }
0x189: {  	v2 =	vsel vm12, v56, v4;
	v4 =	vmax.u32 v4, $0x1;
	v62 =	vmul.f32 $7.812500000e-01, v61  }
0x18a: {  	v7 =	vmin.u32 v7, $0x3F;
	v4 =	vsub.s32 v4, v0;
	v1 =	vmul.f32 $7.812500000e-01, v1  }
.Ltmp12:
0x18b: {  	s14 =	sadd.s32 s14, s30;
	v63 =	vmax.u32 v5, $0x1;
	v2 =	vsel vm13, v4, v2;
	vm14 =	vgt.f32 v6, v62;
	(pc) =	sbr.rel .LBB2_18-.Ltmp12, $4  }
0x18c: {  	s12 =	sadd.s32 s12, s30;
	[tilespmem:s14+$0x0] =	vst v3;
	v3 =	vsub.s32 v63, v0;
	vm15 =	vle.f32 v6, v1;
	v1 =	vsel vm14, v60, v5  }
0x18d: {  	s16 =	sadd.s32 s13, s30;
	[tilespmem:s12+$0x0] =	vst v7;
	v2 =	vmin.u32 v2, $0x3F;
	v1 =	vsel vm15, v3, v1  }
0x18e: {  	s11 =	sadd.s32 s11, s30;
	[tilespmem:s16+$0x0] =	vst v2;
	v1 =	vmin.u32 v1, $0x3F  }
0x18f: {  	[tilespmem:s11+$0x0] =	vst v1  }
.LBB2_20:
0x190: {  	_ =	sfence.sel $0x180000  }
0x191: {  	[bflag:$0x0] =	sbarrier.arrive $0xFFFF  }
0x192: {  	_ =	strace $0x90000047  }
0x193: {  	[bflag:$0x2] =	sbarrier.arrive $0xFFFF  }
0x194: {  	s0 =	rddreg [dreg:$0x3]  }
0x195: {  	s0 =	sadd.s32 @!p0 $0x100000, s0  }
0x196: {  	[sflag:s0] =	ssyncadd.tile.s32 @!p0 $0x1;
	_ =	shalt  }
.Lfunc_end2:
_tile_overlayer_lowered:
.L_overlay_start_2:
0x197: {  	(tag) =	ssettag $0x2  }
0x198: {  	s0 =	rddreg [dreg:$0x0];
	s2 =	stileid.u32  }
0x199: {  	s1 =	rddreg [dreg:$0x1];
	p0 =	sne.s32 s2, $0x0  }
0x19a: {  	s3 =	rddreg [dreg:$0x2];
	[bflag:$0x3] =	sbarrier.arrive $0xFFFF;
	s2 =	simm.s32 @!p0 $0x1C0D  }
0x19b: {  	[timem:s3], [sflag:s2] =	dma.local @!p0 [hbm:s0], s1  }
0x19c: {  	s0 =	simm.s32 @!p0 $0xD  }
0x19d: {  	_ =	swait.ge @!p0 [sflag:s0], s1  }
0x19e: {  	s1 =	ssub.s32 @!p0 $0x0, s1;
	[sflag:s0] =	ssyncset.done @!p0 $0x0  }
0x19f: {  	[sflag:s0] =	ssyncadd.s32 @!p0 s1  }
0x1a0: {  	[bflag:$0x3] =	sbarrier.arrive $0xFFFF  }
0x1a1: {  	_ =	shalt  }

</sc_bundles>
